<compile_context>
chip_gen: v7x
topology: tpu7x:2x2x1
jax: 0.10.2.dev20260603
libtpu: 0.0.44.dev20260713+nightly
codegen_flags: <defaults>
</compile_context>

<pallas_src>
import functools

import jax
import jax.numpy as jnp
from jax import lax
from jax.experimental import pallas as pl
from jax.experimental.pallas import tpu as pltpu
from jax.experimental.pallas import tpu_sc as plsc

N = 10000
E = 320000
D = 128

NC = 2
NS = 16
NW = NC * NS
N_PAD = 10240
ROWS_PER_TILE = N_PAD // NS
EDGES_PER_TILE = E // NW
CH = 128
NCH = 80
E_PAD = NW * NCH * CH
NBUF = 2
RB = 4

_mesh = plsc.VectorSubcoreMesh(core_axis_name="c", subcore_axis_name="s")



@functools.partial(
    pl.kernel,
    out_type=jax.ShapeDtypeStruct((NC, N_PAD), jnp.float32),
    mesh=_mesh,
    scratch_types=[
        pltpu.VMEM((NCH, CH), jnp.int32),
        pltpu.VMEM((CH,), jnp.float32),
        pltpu.VMEM_SHARED((N_PAD,), jnp.float32),
    ],
)
def _deg_kernel(rows_hbm, zeros_hbm, ones_hbm, deg_out, idx_v, ones_v, deg_sh):
    c = lax.axis_index("c")
    s = lax.axis_index("s")
    wid = c * NS + s
    pltpu.sync_copy(zeros_hbm, deg_sh.at[pl.ds(s * ROWS_PER_TILE, ROWS_PER_TILE)])
    pltpu.sync_copy(ones_hbm, ones_v)
    pltpu.sync_copy(rows_hbm.at[wid], idx_v)
    plsc.subcore_barrier()

    def body(i, carry):
        pltpu.sync_copy(ones_v, deg_sh.at[idx_v.at[i]], add=True)
        return carry

    lax.fori_loop(0, NCH, body, 0)
    plsc.subcore_barrier()
    pltpu.sync_copy(
        deg_sh.at[pl.ds(s * ROWS_PER_TILE, ROWS_PER_TILE)],
        deg_out.at[c, pl.ds(s * ROWS_PER_TILE, ROWS_PER_TILE)],
    )


@functools.partial(
    pl.kernel,
    out_type=jax.ShapeDtypeStruct((NC, N_PAD, D), jnp.float32),
    mesh=_mesh,
    scratch_types=[
        pltpu.VMEM((RB, CH), jnp.int32),
        pltpu.VMEM((NCH, CH), jnp.int32),
        pltpu.VMEM((NBUF, CH, D), jnp.float32),
        pltpu.VMEM_SHARED((N_PAD, D), jnp.float32),
        pltpu.SemaphoreType.DMA,
        pltpu.SemaphoreType.DMA,
    ],
)
def _scatter_kernel(g_hbm, rows_hbm, cols_hbm, zeros_hbm, acc_out,
                    rows_v, cols_v, gbuf, acc_sh, gsem, rsem):
    c = lax.axis_index("c")
    s = lax.axis_index("s")
    wid = c * NS + s
    pltpu.sync_copy(zeros_hbm, acc_sh.at[pl.ds(s * ROWS_PER_TILE, ROWS_PER_TILE)])
    pltpu.sync_copy(cols_hbm.at[wid], cols_v)
    for k in range(RB):
        pltpu.async_copy(rows_hbm.at[wid, k], rows_v.at[k], rsem)
    plsc.subcore_barrier()

    for b in range(NBUF):
        pltpu.async_copy(g_hbm.at[cols_v.at[b]], gbuf.at[b], gsem)

    def body(i, carry):
        b = lax.rem(i, NBUF)
        r = lax.rem(i, RB)
        pltpu.make_async_copy(g_hbm.at[cols_v.at[i]], gbuf.at[b], gsem).wait()
        pltpu.make_async_copy(rows_hbm.at[wid, i], rows_v.at[r], rsem).wait()
        pltpu.sync_copy(gbuf.at[b], acc_sh.at[rows_v.at[r]], add=True)

        @pl.when(i + RB < NCH)
        def _():
            pltpu.async_copy(rows_hbm.at[wid, i + RB], rows_v.at[r], rsem)

        @pl.when(i + NBUF < NCH)
        def _():
            pltpu.async_copy(g_hbm.at[cols_v.at[i + NBUF]], gbuf.at[b], gsem)

        return carry

    lax.fori_loop(0, NCH, body, 0)
    plsc.subcore_barrier()
    pltpu.sync_copy(
        acc_sh.at[pl.ds(s * ROWS_PER_TILE, ROWS_PER_TILE)],
        acc_out.at[c, pl.ds(s * ROWS_PER_TILE, ROWS_PER_TILE)],
    )



BLK = 1024
_GRID = N_PAD // BLK

_DN = (((1,), (1,)), ((), ()))


def _prep_body(deg_ref, x_ref, w_ref, b_ref, dinv_ref, g_ref):
    deg = deg_ref[...]
    d = deg[0] + deg[1] + 1.0
    dinv = lax.rsqrt(d)
    h = lax.dot_general(x_ref[...], w_ref[...], _DN,
                        preferred_element_type=jnp.float32) + b_ref[...]
    dinv_ref[...] = dinv
    g_ref[...] = dinv * h


def _mid_body(acc_ref, g1_ref, dinv_ref, w_ref, b_ref, g2_ref):
    acc = acc_ref[...]
    s = acc[0] + acc[1] + g1_ref[...]
    dinv = dinv_ref[...]
    h1 = jnp.maximum(dinv * s, 0.0)
    h = lax.dot_general(h1, w_ref[...], _DN,
                        preferred_element_type=jnp.float32) + b_ref[...]
    g2_ref[...] = dinv * h


def _fin_body(acc_ref, g2_ref, dinv_ref, out_ref):
    acc = acc_ref[...]
    out_ref[...] = dinv_ref[...] * (acc[0] + acc[1] + g2_ref[...])


_prep_call = pl.pallas_call(
    _prep_body,
    grid=(_GRID,),
    in_specs=[
        pl.BlockSpec((2, BLK, 1), lambda i: (0, i, 0)),
        pl.BlockSpec((BLK, D), lambda i: (i, 0)),
        pl.BlockSpec((D, D), lambda i: (0, 0)),
        pl.BlockSpec((1, D), lambda i: (0, 0)),
    ],
    out_specs=[
        pl.BlockSpec((BLK, 1), lambda i: (i, 0)),
        pl.BlockSpec((BLK, D), lambda i: (i, 0)),
    ],
    out_shape=[
        jax.ShapeDtypeStruct((N_PAD, 1), jnp.float32),
        jax.ShapeDtypeStruct((N_PAD, D), jnp.float32),
    ],
)

_mid_call = pl.pallas_call(
    _mid_body,
    grid=(_GRID,),
    in_specs=[
        pl.BlockSpec((2, BLK, D), lambda i: (0, i, 0)),
        pl.BlockSpec((BLK, D), lambda i: (i, 0)),
        pl.BlockSpec((BLK, 1), lambda i: (i, 0)),
        pl.BlockSpec((D, D), lambda i: (0, 0)),
        pl.BlockSpec((1, D), lambda i: (0, 0)),
    ],
    out_specs=pl.BlockSpec((BLK, D), lambda i: (i, 0)),
    out_shape=jax.ShapeDtypeStruct((N_PAD, D), jnp.float32),
)

_fin_call = pl.pallas_call(
    _fin_body,
    grid=(_GRID,),
    in_specs=[
        pl.BlockSpec((2, BLK, D), lambda i: (0, i, 0)),
        pl.BlockSpec((BLK, D), lambda i: (i, 0)),
        pl.BlockSpec((BLK, 1), lambda i: (i, 0)),
    ],
    out_specs=pl.BlockSpec((BLK, D), lambda i: (i, 0)),
    out_shape=jax.ShapeDtypeStruct((N_PAD, D), jnp.float32),
)



@jax.jit
def _run(x, edge_index, W1, b1, W2, b2):
    pad_r = jnp.full((E_PAD - E,), N_PAD - 1, jnp.int32)
    pad_c = jnp.zeros((E_PAD - E,), jnp.int32)
    rows = jnp.concatenate([edge_index[0].astype(jnp.int32), pad_r])
    cols = jnp.concatenate([edge_index[1].astype(jnp.int32), pad_c])
    rows = rows.reshape(NW, NCH, CH)
    cols = cols.reshape(NW, NCH, CH)
    x_pad = jnp.pad(x, ((0, N_PAD - N), (0, 0)))

    zeros_row = jnp.zeros((ROWS_PER_TILE,), jnp.float32)
    ones_ch = jnp.ones((CH,), jnp.float32)
    zeros_blk = jnp.zeros((ROWS_PER_TILE, D), jnp.float32)

    deg = _deg_kernel(rows, zeros_row, ones_ch)
    deg3 = deg.reshape(NC, N_PAD, 1)

    dinv, g1 = _prep_call(deg3, x_pad, W1, b1.reshape(1, D))
    acc1 = _scatter_kernel(g1, rows, cols, zeros_blk)
    g2 = _mid_call(acc1, g1, dinv, W2, b2.reshape(1, D))
    acc2 = _scatter_kernel(g2, rows, cols, zeros_blk)
    out = _fin_call(acc2, g2, dinv)
    return out[:N]


def kernel(x, edge_index, W1, b1, W2, b2):
    return _run(x, edge_index, W1, b1, W2, b2)

# --- scband reference (transcript-rebuilt; emitter-appended) ---
"""Pipeline reference for scband-grand-17497696764532 (READ-ONLY COPY).

The authoritative reference and input builder live on the scoring server;
editing this copy changes nothing except your own understanding.
"""

import jax, jax.numpy as jnp
import numpy as np

N, E, D = 10000, 320000, 128


def _gcn_conv(x, rows, cols, W, b):
    n = x.shape[0]
    sl = jnp.arange(n)
    r = jnp.concatenate([sl, rows])
    c = jnp.concatenate([sl, cols])
    v = jnp.ones(r.shape[0], dtype=jnp.float32)
    # rowsum of adjacency (with self loops); duplicate edges sum, matching coalesce()
    rowsum = jnp.zeros(n, dtype=jnp.float32).at[r].add(v)
    d_inv = jnp.where(rowsum > 0, jax.lax.rsqrt(rowsum), 0.0)
    vals = d_inv[r] * v * d_inv[c]
    h = x @ W.T + b
    out = jnp.zeros((n, W.shape[0]), dtype=jnp.float32).at[r].add(vals[:, None] * h[c])
    return out


def setup_inputs(seed: int = 0):
    key = jax.random.key(seed)
    ks = jax.random.split(key, 6)
    x = jax.random.normal(ks[0], (N, D), dtype=jnp.float32)
    edge_index = jax.random.randint(ks[1], (2, E), 0, N)
    gain = float(np.sqrt(2.0))  # xavier_normal with relu gain
    std = gain * float(np.sqrt(2.0 / (D + D)))
    W1 = std * jax.random.normal(ks[2], (D, D), dtype=jnp.float32)
    b1 = jnp.zeros((D,), dtype=jnp.float32)
    W2 = std * jax.random.normal(ks[3], (D, D), dtype=jnp.float32)
    b2 = jnp.zeros((D,), dtype=jnp.float32)
    return {"x": x, "edge_index": edge_index, "W1": W1, "b1": b1, "W2": W2, "b2": b2}


def reference(x, edge_index, W1, b1, W2, b2):
    rows = edge_index[0]
    cols = edge_index[1]
    # layer 0: GCNConv with ReLU activation
    h = _gcn_conv(x, rows, cols, W1, b1)
    h = jax.nn.relu(h)
    # layer 1: GCNConv, no activation (output layer)
    out = _gcn_conv(h, rows, cols, W2, b2)
    return out

if __name__ == "__main__":
    import jax
    _d = setup_inputs()
    print(jax.jit(kernel)(*tuple(_d.values())))

</pallas_src>

<mosaic_0001>
#map = affine_map<(d0, d1) -> (0, 0, 0)>
#map1 = affine_map<(d0, d1) -> (0)>
#map2 = affine_map<(d0, d1) -> (0, 0)>
module attributes {stable_mosaic.version = 14 : i64} {
  func.func @_deg_kernel(%arg0: i32, %arg1: i32, %arg2: memref<32x80x128xi32, #tpu.memory_space<hbm>>, %arg3: memref<640xf32, #tpu.memory_space<hbm>>, %arg4: memref<128xf32, #tpu.memory_space<hbm>>, %arg5: memref<2x10240xf32, #tpu.memory_space<hbm>>, %arg6: memref<80x128xi32, #tpu.memory_space<vmem>>, %arg7: memref<128xf32, #tpu.memory_space<vmem>>, %arg8: memref<10240xf32, #tpu.memory_space<vmem_shared>>) attributes {dimension_semantics = [#tpu.dimension_semantics<core_parallel>, #tpu.dimension_semantics<subcore_parallel>], iteration_bounds = array<i64: 2, 16>, scalar_prefetch = 0 : i64, scratch_operands = 3 : i64, tpu.core_type = #tpu.core_type<sc_vector_subcore>, window_params = [{transform_indices = #map}, {transform_indices = #map1}, {transform_indices = #map1}, {transform_indices = #map2}]} {
    %mul3A = arith.constant 16 : i32
    %mul3A_0 = arith.muli %arg0, %mul3A : i32
    %add3A = arith.addi %mul3A_0, %arg1 : i32
    %mul3A_1 = arith.constant 640 : i32
    %mul3A_2 = arith.muli %arg1, %mul3A_1 : i32
    "tpu.region"() ({
      %run_scoped3A = tpu.sem_alloc : memref<!tpu.dma_semaphore, #tpu.memory_space<semaphore_mem>>
      %dma_start3A = tpu.memref_slice %arg8[%mul3A_2] : memref<10240xf32, #tpu.memory_space<vmem_shared>> -> memref<640xf32, #tpu.memory_space<vmem_shared>>
      tpu.enqueue_dma source(%arg3 : memref<640xf32, #tpu.memory_space<hbm>>) target(%dma_start3A : memref<640xf32, #tpu.memory_space<vmem_shared>>) target_semaphore(%run_scoped3A : memref<!tpu.dma_semaphore, #tpu.memory_space<semaphore_mem>>)
      %dma_wait3A = tpu.memref_slice %arg8[%mul3A_2] : memref<10240xf32, #tpu.memory_space<vmem_shared>> -> memref<640xf32, #tpu.memory_space<vmem_shared>>
      tpu.wait_dma2 semaphore(%run_scoped3A : memref<!tpu.dma_semaphore, #tpu.memory_space<semaphore_mem>>) src(%arg3 : memref<640xf32, #tpu.memory_space<hbm>>) dst(%dma_wait3A : memref<640xf32, #tpu.memory_space<vmem_shared>>)
      tpu.yield
    }) : () -> ()
    "tpu.region"() ({
      %run_scoped3A = tpu.sem_alloc : memref<!tpu.dma_semaphore, #tpu.memory_space<semaphore_mem>>
      tpu.enqueue_dma source(%arg4 : memref<128xf32, #tpu.memory_space<hbm>>) target(%arg7 : memref<128xf32, #tpu.memory_space<vmem>>) target_semaphore(%run_scoped3A : memref<!tpu.dma_semaphore, #tpu.memory_space<semaphore_mem>>)
      tpu.wait_dma2 semaphore(%run_scoped3A : memref<!tpu.dma_semaphore, #tpu.memory_space<semaphore_mem>>) src(%arg4 : memref<128xf32, #tpu.memory_space<hbm>>) dst(%arg7 : memref<128xf32, #tpu.memory_space<vmem>>)
      tpu.yield
    }) : () -> ()
    "tpu.region"() ({
      %run_scoped3A = tpu.sem_alloc : memref<!tpu.dma_semaphore, #tpu.memory_space<semaphore_mem>>
      %dma_start3A = arith.constant 0 : i32
      %dma_start3A_13 = arith.constant 0 : i32
      %dma_start3A_14 = tpu.memref_slice %arg2[%add3A, %dma_start3A, %dma_start3A_13] : memref<32x80x128xi32, #tpu.memory_space<hbm>> -> memref<1x80x128xi32, #tpu.memory_space<hbm>>
      %dma_start3A_15 = tpu.memref_squeeze %dma_start3A_14 : memref<1x80x128xi32, #tpu.memory_space<hbm>> -> memref<80x128xi32, #tpu.memory_space<hbm>>
      %dma_start3A_16 = arith.constant 0 : i32
      %dma_start3A_17 = arith.constant 0 : i32
      %dma_start3A_18 = tpu.memref_slice %arg2[%add3A, %dma_start3A_16, %dma_start3A_17] : memref<32x80x128xi32, #tpu.memory_space<hbm>> -> memref<1x80x128xi32, #tpu.memory_space<hbm>>
      %dma_start3A_19 = tpu.memref_squeeze %dma_start3A_18 : memref<1x80x128xi32, #tpu.memory_space<hbm>> -> memref<80x128xi32, #tpu.memory_space<hbm>>
      tpu.enqueue_dma source(%dma_start3A_19 : memref<80x128xi32, #tpu.memory_space<hbm>>) target(%arg6 : memref<80x128xi32, #tpu.memory_space<vmem>>) target_semaphore(%run_scoped3A : memref<!tpu.dma_semaphore, #tpu.memory_space<semaphore_mem>>)
      %dma_wait3A = arith.constant 0 : i32
      %dma_wait3A_20 = arith.constant 0 : i32
      %dma_wait3A_21 = tpu.memref_slice %arg2[%add3A, %dma_wait3A, %dma_wait3A_20] : memref<32x80x128xi32, #tpu.memory_space<hbm>> -> memref<1x80x128xi32, #tpu.memory_space<hbm>>
      %dma_wait3A_22 = tpu.memref_squeeze %dma_wait3A_21 : memref<1x80x128xi32, #tpu.memory_space<hbm>> -> memref<80x128xi32, #tpu.memory_space<hbm>>
      %dma_wait3A_23 = arith.constant 0 : i32
      %dma_wait3A_24 = arith.constant 0 : i32
      %dma_wait3A_25 = tpu.memref_slice %arg2[%add3A, %dma_wait3A_23, %dma_wait3A_24] : memref<32x80x128xi32, #tpu.memory_space<hbm>> -> memref<1x80x128xi32, #tpu.memory_space<hbm>>
      %dma_wait3A_26 = tpu.memref_squeeze %dma_wait3A_25 : memref<1x80x128xi32, #tpu.memory_space<hbm>> -> memref<80x128xi32, #tpu.memory_space<hbm>>
      tpu.wait_dma2 semaphore(%run_scoped3A : memref<!tpu.dma_semaphore, #tpu.memory_space<semaphore_mem>>) src(%dma_wait3A_26 : memref<80x128xi32, #tpu.memory_space<hbm>>) dst(%arg6 : memref<80x128xi32, #tpu.memory_space<vmem>>)
      tpu.yield
    }) : () -> ()
    %barrier3A = arith.constant 0 : index
    tpu.barrier barrier_id(%barrier3A)
    %scan3A = arith.constant 0 : i32
    %scan3A_3 = arith.constant 0 : i32
    %scan3A_4 = arith.constant 80 : i32
    %scan3A_5 = arith.addi %scan3A_3, %scan3A_4 : i32
    %scan3A_6 = arith.constant 1 : i32
    scf.for %scan3A_13 = %scan3A_3 to %scan3A_5 step %scan3A_6  : i32 {
      "tpu.region"() ({
        %run_scoped3A = tpu.sem_alloc : memref<!tpu.dma_semaphore, #tpu.memory_space<semaphore_mem>>
        %dma_start3A = arith.constant 0 : i32
        %dma_start3A_14 = tpu.memref_slice %arg6[%scan3A_13, %dma_start3A] : memref<80x128xi32, #tpu.memory_space<vmem>> -> memref<1x128xi32, #tpu.memory_space<vmem>>
        %dma_start3A_15 = tpu.memref_squeeze %dma_start3A_14 : memref<1x128xi32, #tpu.memory_space<vmem>> -> memref<128xi32, #tpu.memory_space<vmem>>
        %dma_start3A_16 = arith.constant 0 : i32
        %dma_start3A_17 = tpu.memref_slice %arg8[%dma_start3A_16] : memref<10240xf32, #tpu.memory_space<vmem_shared>> -> memref<10240xf32, #tpu.memory_space<vmem_shared>>
        tpu.enqueue_indirect_dma source(%arg7 : memref<128xf32, #tpu.memory_space<vmem>>) target(%dma_start3A_17 : memref<10240xf32, #tpu.memory_space<vmem_shared>>) offsets(%dma_start3A_15 : memref<128xi32, #tpu.memory_space<vmem>>) semaphore(%run_scoped3A : memref<!tpu.dma_semaphore, #tpu.memory_space<semaphore_mem>>) {add = true}
        %dma_wait3A = arith.constant 0 : i32
        %dma_wait3A_18 = tpu.memref_slice %arg6[%scan3A_13, %dma_wait3A] : memref<80x128xi32, #tpu.memory_space<vmem>> -> memref<1x128xi32, #tpu.memory_space<vmem>>
        %dma_wait3A_19 = tpu.memref_squeeze %dma_wait3A_18 : memref<1x128xi32, #tpu.memory_space<vmem>> -> memref<128xi32, #tpu.memory_space<vmem>>
        %dma_wait3A_20 = arith.constant 0 : i32
        %dma_wait3A_21 = tpu.memref_slice %arg8[%dma_wait3A_20] : memref<10240xf32, #tpu.memory_space<vmem_shared>> -> memref<10240xf32, #tpu.memory_space<vmem_shared>>
        tpu.wait_indirect_dma semaphore(%run_scoped3A : memref<!tpu.dma_semaphore, #tpu.memory_space<semaphore_mem>>) src(%arg7 : memref<128xf32, #tpu.memory_space<vmem>>) dst(%dma_wait3A_21 : memref<10240xf32, #tpu.memory_space<vmem_shared>>)
        tpu.yield
      }) : () -> ()
    }
    %scan3A_7 = arith.constant 80 : i32
    %barrier3A_8 = arith.constant 0 : index
    tpu.barrier barrier_id(%barrier3A_8)
    %mul3A_9 = arith.constant 640 : i32
    %mul3A_10 = arith.muli %arg1, %mul3A_9 : i32
    %mul3A_11 = arith.constant 640 : i32
    %mul3A_12 = arith.muli %arg1, %mul3A_11 : i32
    "tpu.region"() ({
      %run_scoped3A = tpu.sem_alloc : memref<!tpu.dma_semaphore, #tpu.memory_space<semaphore_mem>>
      %dma_start3A = tpu.memref_slice %arg5[%arg0, %mul3A_12] : memref<2x10240xf32, #tpu.memory_space<hbm>> -> memref<1x640xf32, #tpu.memory_space<hbm>>
      %dma_start3A_13 = tpu.memref_squeeze %dma_start3A : memref<1x640xf32, #tpu.memory_space<hbm>> -> memref<640xf32, #tpu.memory_space<hbm>>
      %dma_start3A_14 = tpu.memref_slice %arg8[%mul3A_10] : memref<10240xf32, #tpu.memory_space<vmem_shared>> -> memref<640xf32, #tpu.memory_space<vmem_shared>>
      tpu.enqueue_dma source(%dma_start3A_14 : memref<640xf32, #tpu.memory_space<vmem_shared>>) target(%dma_start3A_13 : memref<640xf32, #tpu.memory_space<hbm>>) target_semaphore(%run_scoped3A : memref<!tpu.dma_semaphore, #tpu.memory_space<semaphore_mem>>)
      %dma_wait3A = tpu.memref_slice %arg5[%arg0, %mul3A_12] : memref<2x10240xf32, #tpu.memory_space<hbm>> -> memref<1x640xf32, #tpu.memory_space<hbm>>
      %dma_wait3A_15 = tpu.memref_squeeze %dma_wait3A : memref<1x640xf32, #tpu.memory_space<hbm>> -> memref<640xf32, #tpu.memory_space<hbm>>
      %dma_wait3A_16 = tpu.memref_slice %arg8[%mul3A_10] : memref<10240xf32, #tpu.memory_space<vmem_shared>> -> memref<640xf32, #tpu.memory_space<vmem_shared>>
      tpu.wait_dma2 semaphore(%run_scoped3A : memref<!tpu.dma_semaphore, #tpu.memory_space<semaphore_mem>>) src(%dma_wait3A_16 : memref<640xf32, #tpu.memory_space<vmem_shared>>) dst(%dma_wait3A_15 : memref<640xf32, #tpu.memory_space<hbm>>)
      tpu.yield
    }) : () -> ()
    return
  }
}

#map = affine_map<(d0, d1) -> (0, 0)>
#map1 = affine_map<(d0, d1) -> (0, 0, 0)>
module attributes {stable_mosaic.version = 14 : i64} {
  func.func @_scatter_kernel(%arg0: i32, %arg1: i32, %arg2: memref<10240x128xf32, #tpu.memory_space<hbm>>, %arg3: memref<32x80x128xi32, #tpu.memory_space<hbm>>, %arg4: memref<32x80x128xi32, #tpu.memory_space<hbm>>, %arg5: memref<640x128xf32, #tpu.memory_space<hbm>>, %arg6: memref<2x10240x128xf32, #tpu.memory_space<hbm>>, %arg7: memref<4x128xi32, #tpu.memory_space<vmem>>, %arg8: memref<80x128xi32, #tpu.memory_space<vmem>>, %arg9: memref<2x128x128xf32, #tpu.memory_space<vmem>>, %arg10: memref<10240x128xf32, #tpu.memory_space<vmem_shared>>, %arg11: memref<!tpu.dma_semaphore, #tpu.memory_space<semaphore_mem>>, %arg12: memref<!tpu.dma_semaphore, #tpu.memory_space<semaphore_mem>>) attributes {dimension_semantics = [#tpu.dimension_semantics<core_parallel>, #tpu.dimension_semantics<subcore_parallel>], iteration_bounds = array<i64: 2, 16>, scalar_prefetch = 0 : i64, scratch_operands = 6 : i64, tpu.core_type = #tpu.core_type<sc_vector_subcore>, window_params = [{transform_indices = #map}, {transform_indices = #map1}, {transform_indices = #map1}, {transform_indices = #map}, {transform_indices = #map1}]} {
    %mul3A = arith.constant 16 : i32
    %mul3A_0 = arith.muli %arg0, %mul3A : i32
    %add3A = arith.addi %mul3A_0, %arg1 : i32
    %mul3A_1 = arith.constant 640 : i32
    %mul3A_2 = arith.muli %arg1, %mul3A_1 : i32
    "tpu.region"() ({
      %run_scoped3A = tpu.sem_alloc : memref<!tpu.dma_semaphore, #tpu.memory_space<semaphore_mem>>
      %dma_start3A_92 = arith.constant 0 : i32
      %dma_start3A_93 = tpu.memref_slice %arg10[%mul3A_2, %dma_start3A_92] : memref<10240x128xf32, #tpu.memory_space<vmem_shared>> -> memref<640x128xf32, #tpu.memory_space<vmem_shared>>
      tpu.enqueue_dma source(%arg5 : memref<640x128xf32, #tpu.memory_space<hbm>>) target(%dma_start3A_93 : memref<640x128xf32, #tpu.memory_space<vmem_shared>>) target_semaphore(%run_scoped3A : memref<!tpu.dma_semaphore, #tpu.memory_space<semaphore_mem>>)
      %dma_wait3A = arith.constant 0 : i32
      %dma_wait3A_94 = tpu.memref_slice %arg10[%mul3A_2, %dma_wait3A] : memref<10240x128xf32, #tpu.memory_space<vmem_shared>> -> memref<640x128xf32, #tpu.memory_space<vmem_shared>>
      tpu.wait_dma2 semaphore(%run_scoped3A : memref<!tpu.dma_semaphore, #tpu.memory_space<semaphore_mem>>) src(%arg5 : memref<640x128xf32, #tpu.memory_space<hbm>>) dst(%dma_wait3A_94 : memref<640x128xf32, #tpu.memory_space<vmem_shared>>)
      tpu.yield
    }) : () -> ()
    "tpu.region"() ({
      %run_scoped3A = tpu.sem_alloc : memref<!tpu.dma_semaphore, #tpu.memory_space<semaphore_mem>>
      %dma_start3A_92 = arith.constant 0 : i32
      %dma_start3A_93 = arith.constant 0 : i32
      %dma_start3A_94 = tpu.memref_slice %arg4[%add3A, %dma_start3A_92, %dma_start3A_93] : memref<32x80x128xi32, #tpu.memory_space<hbm>> -> memref<1x80x128xi32, #tpu.memory_space<hbm>>
      %dma_start3A_95 = tpu.memref_squeeze %dma_start3A_94 : memref<1x80x128xi32, #tpu.memory_space<hbm>> -> memref<80x128xi32, #tpu.memory_space<hbm>>
      %dma_start3A_96 = arith.constant 0 : i32
      %dma_start3A_97 = arith.constant 0 : i32
      %dma_start3A_98 = tpu.memref_slice %arg4[%add3A, %dma_start3A_96, %dma_start3A_97] : memref<32x80x128xi32, #tpu.memory_space<hbm>> -> memref<1x80x128xi32, #tpu.memory_space<hbm>>
      %dma_start3A_99 = tpu.memref_squeeze %dma_start3A_98 : memref<1x80x128xi32, #tpu.memory_space<hbm>> -> memref<80x128xi32, #tpu.memory_space<hbm>>
      tpu.enqueue_dma source(%dma_start3A_99 : memref<80x128xi32, #tpu.memory_space<hbm>>) target(%arg8 : memref<80x128xi32, #tpu.memory_space<vmem>>) target_semaphore(%run_scoped3A : memref<!tpu.dma_semaphore, #tpu.memory_space<semaphore_mem>>)
      %dma_wait3A = arith.constant 0 : i32
      %dma_wait3A_100 = arith.constant 0 : i32
      %dma_wait3A_101 = tpu.memref_slice %arg4[%add3A, %dma_wait3A, %dma_wait3A_100] : memref<32x80x128xi32, #tpu.memory_space<hbm>> -> memref<1x80x128xi32, #tpu.memory_space<hbm>>
      %dma_wait3A_102 = tpu.memref_squeeze %dma_wait3A_101 : memref<1x80x128xi32, #tpu.memory_space<hbm>> -> memref<80x128xi32, #tpu.memory_space<hbm>>
      %dma_wait3A_103 = arith.constant 0 : i32
      %dma_wait3A_104 = arith.constant 0 : i32
      %dma_wait3A_105 = tpu.memref_slice %arg4[%add3A, %dma_wait3A_103, %dma_wait3A_104] : memref<32x80x128xi32, #tpu.memory_space<hbm>> -> memref<1x80x128xi32, #tpu.memory_space<hbm>>
      %dma_wait3A_106 = tpu.memref_squeeze %dma_wait3A_105 : memref<1x80x128xi32, #tpu.memory_space<hbm>> -> memref<80x128xi32, #tpu.memory_space<hbm>>
      tpu.wait_dma2 semaphore(%run_scoped3A : memref<!tpu.dma_semaphore, #tpu.memory_space<semaphore_mem>>) src(%dma_wait3A_106 : memref<80x128xi32, #tpu.memory_space<hbm>>) dst(%arg8 : memref<80x128xi32, #tpu.memory_space<vmem>>)
      tpu.yield
    }) : () -> ()
    %dma_start3A = arith.constant 0 : i32
    %dma_start3A_3 = arith.constant 0 : i32
    %dma_start3A_4 = arith.constant 0 : i32
    %dma_start3A_5 = tpu.memref_slice %arg7[%dma_start3A_3, %dma_start3A_4] : memref<4x128xi32, #tpu.memory_space<vmem>> -> memref<1x128xi32, #tpu.memory_space<vmem>>
    %dma_start3A_6 = tpu.memref_squeeze %dma_start3A_5 : memref<1x128xi32, #tpu.memory_space<vmem>> -> memref<128xi32, #tpu.memory_space<vmem>>
    %dma_start3A_7 = arith.constant 0 : i32
    %dma_start3A_8 = tpu.memref_slice %arg3[%add3A, %dma_start3A, %dma_start3A_7] : memref<32x80x128xi32, #tpu.memory_space<hbm>> -> memref<1x1x128xi32, #tpu.memory_space<hbm>>
    %dma_start3A_9 = tpu.memref_squeeze %dma_start3A_8 : memref<1x1x128xi32, #tpu.memory_space<hbm>> -> memref<128xi32, #tpu.memory_space<hbm>>
    %dma_start3A_10 = arith.constant 0 : i32
    %dma_start3A_11 = tpu.memref_slice %arg7[%dma_start3A_3, %dma_start3A_10] : memref<4x128xi32, #tpu.memory_space<vmem>> -> memref<1x128xi32, #tpu.memory_space<vmem>>
    %dma_start3A_12 = tpu.memref_squeeze %dma_start3A_11 : memref<1x128xi32, #tpu.memory_space<vmem>> -> memref<128xi32, #tpu.memory_space<vmem>>
    %dma_start3A_13 = arith.constant 0 : i32
    %dma_start3A_14 = tpu.memref_slice %arg3[%add3A, %dma_start3A, %dma_start3A_13] : memref<32x80x128xi32, #tpu.memory_space<hbm>> -> memref<1x1x128xi32, #tpu.memory_space<hbm>>
    %dma_start3A_15 = tpu.memref_squeeze %dma_start3A_14 : memref<1x1x128xi32, #tpu.memory_space<hbm>> -> memref<128xi32, #tpu.memory_space<hbm>>
    tpu.enqueue_dma source(%dma_start3A_15 : memref<128xi32, #tpu.memory_space<hbm>>) target(%dma_start3A_12 : memref<128xi32, #tpu.memory_space<vmem>>) target_semaphore(%arg12 : memref<!tpu.dma_semaphore, #tpu.memory_space<semaphore_mem>>)
    %dma_start3A_16 = arith.constant 1 : i32
    %dma_start3A_17 = arith.constant 1 : i32
    %dma_start3A_18 = arith.constant 0 : i32
    %dma_start3A_19 = tpu.memref_slice %arg7[%dma_start3A_17, %dma_start3A_18] : memref<4x128xi32, #tpu.memory_space<vmem>> -> memref<1x128xi32, #tpu.memory_space<vmem>>
    %dma_start3A_20 = tpu.memref_squeeze %dma_start3A_19 : memref<1x128xi32, #tpu.memory_space<vmem>> -> memref<128xi32, #tpu.memory_space<vmem>>
    %dma_start3A_21 = arith.constant 0 : i32
    %dma_start3A_22 = tpu.memref_slice %arg3[%add3A, %dma_start3A_16, %dma_start3A_21] : memref<32x80x128xi32, #tpu.memory_space<hbm>> -> memref<1x1x128xi32, #tpu.memory_space<hbm>>
    %dma_start3A_23 = tpu.memref_squeeze %dma_start3A_22 : memref<1x1x128xi32, #tpu.memory_space<hbm>> -> memref<128xi32, #tpu.memory_space<hbm>>
    %dma_start3A_24 = arith.constant 0 : i32
    %dma_start3A_25 = tpu.memref_slice %arg7[%dma_start3A_17, %dma_start3A_24] : memref<4x128xi32, #tpu.memory_space<vmem>> -> memref<1x128xi32, #tpu.memory_space<vmem>>
    %dma_start3A_26 = tpu.memref_squeeze %dma_start3A_25 : memref<1x128xi32, #tpu.memory_space<vmem>> -> memref<128xi32, #tpu.memory_space<vmem>>
    %dma_start3A_27 = arith.constant 0 : i32
    %dma_start3A_28 = tpu.memref_slice %arg3[%add3A, %dma_start3A_16, %dma_start3A_27] : memref<32x80x128xi32, #tpu.memory_space<hbm>> -> memref<1x1x128xi32, #tpu.memory_space<hbm>>
    %dma_start3A_29 = tpu.memref_squeeze %dma_start3A_28 : memref<1x1x128xi32, #tpu.memory_space<hbm>> -> memref<128xi32, #tpu.memory_space<hbm>>
    tpu.enqueue_dma source(%dma_start3A_29 : memref<128xi32, #tpu.memory_space<hbm>>) target(%dma_start3A_26 : memref<128xi32, #tpu.memory_space<vmem>>) target_semaphore(%arg12 : memref<!tpu.dma_semaphore, #tpu.memory_space<semaphore_mem>>)
    %dma_start3A_30 = arith.constant 2 : i32
    %dma_start3A_31 = arith.constant 2 : i32
    %dma_start3A_32 = arith.constant 0 : i32
    %dma_start3A_33 = tpu.memref_slice %arg7[%dma_start3A_31, %dma_start3A_32] : memref<4x128xi32, #tpu.memory_space<vmem>> -> memref<1x128xi32, #tpu.memory_space<vmem>>
    %dma_start3A_34 = tpu.memref_squeeze %dma_start3A_33 : memref<1x128xi32, #tpu.memory_space<vmem>> -> memref<128xi32, #tpu.memory_space<vmem>>
    %dma_start3A_35 = arith.constant 0 : i32
    %dma_start3A_36 = tpu.memref_slice %arg3[%add3A, %dma_start3A_30, %dma_start3A_35] : memref<32x80x128xi32, #tpu.memory_space<hbm>> -> memref<1x1x128xi32, #tpu.memory_space<hbm>>
    %dma_start3A_37 = tpu.memref_squeeze %dma_start3A_36 : memref<1x1x128xi32, #tpu.memory_space<hbm>> -> memref<128xi32, #tpu.memory_space<hbm>>
    %dma_start3A_38 = arith.constant 0 : i32
    %dma_start3A_39 = tpu.memref_slice %arg7[%dma_start3A_31, %dma_start3A_38] : memref<4x128xi32, #tpu.memory_space<vmem>> -> memref<1x128xi32, #tpu.memory_space<vmem>>
    %dma_start3A_40 = tpu.memref_squeeze %dma_start3A_39 : memref<1x128xi32, #tpu.memory_space<vmem>> -> memref<128xi32, #tpu.memory_space<vmem>>
    %dma_start3A_41 = arith.constant 0 : i32
    %dma_start3A_42 = tpu.memref_slice %arg3[%add3A, %dma_start3A_30, %dma_start3A_41] : memref<32x80x128xi32, #tpu.memory_space<hbm>> -> memref<1x1x128xi32, #tpu.memory_space<hbm>>
    %dma_start3A_43 = tpu.memref_squeeze %dma_start3A_42 : memref<1x1x128xi32, #tpu.memory_space<hbm>> -> memref<128xi32, #tpu.memory_space<hbm>>
    tpu.enqueue_dma source(%dma_start3A_43 : memref<128xi32, #tpu.memory_space<hbm>>) target(%dma_start3A_40 : memref<128xi32, #tpu.memory_space<vmem>>) target_semaphore(%arg12 : memref<!tpu.dma_semaphore, #tpu.memory_space<semaphore_mem>>)
    %dma_start3A_44 = arith.constant 3 : i32
    %dma_start3A_45 = arith.constant 3 : i32
    %dma_start3A_46 = arith.constant 0 : i32
    %dma_start3A_47 = tpu.memref_slice %arg7[%dma_start3A_45, %dma_start3A_46] : memref<4x128xi32, #tpu.memory_space<vmem>> -> memref<1x128xi32, #tpu.memory_space<vmem>>
    %dma_start3A_48 = tpu.memref_squeeze %dma_start3A_47 : memref<1x128xi32, #tpu.memory_space<vmem>> -> memref<128xi32, #tpu.memory_space<vmem>>
    %dma_start3A_49 = arith.constant 0 : i32
    %dma_start3A_50 = tpu.memref_slice %arg3[%add3A, %dma_start3A_44, %dma_start3A_49] : memref<32x80x128xi32, #tpu.memory_space<hbm>> -> memref<1x1x128xi32, #tpu.memory_space<hbm>>
    %dma_start3A_51 = tpu.memref_squeeze %dma_start3A_50 : memref<1x1x128xi32, #tpu.memory_space<hbm>> -> memref<128xi32, #tpu.memory_space<hbm>>
    %dma_start3A_52 = arith.constant 0 : i32
    %dma_start3A_53 = tpu.memref_slice %arg7[%dma_start3A_45, %dma_start3A_52] : memref<4x128xi32, #tpu.memory_space<vmem>> -> memref<1x128xi32, #tpu.memory_space<vmem>>
    %dma_start3A_54 = tpu.memref_squeeze %dma_start3A_53 : memref<1x128xi32, #tpu.memory_space<vmem>> -> memref<128xi32, #tpu.memory_space<vmem>>
    %dma_start3A_55 = arith.constant 0 : i32
    %dma_start3A_56 = tpu.memref_slice %arg3[%add3A, %dma_start3A_44, %dma_start3A_55] : memref<32x80x128xi32, #tpu.memory_space<hbm>> -> memref<1x1x128xi32, #tpu.memory_space<hbm>>
    %dma_start3A_57 = tpu.memref_squeeze %dma_start3A_56 : memref<1x1x128xi32, #tpu.memory_space<hbm>> -> memref<128xi32, #tpu.memory_space<hbm>>
    tpu.enqueue_dma source(%dma_start3A_57 : memref<128xi32, #tpu.memory_space<hbm>>) target(%dma_start3A_54 : memref<128xi32, #tpu.memory_space<vmem>>) target_semaphore(%arg12 : memref<!tpu.dma_semaphore, #tpu.memory_space<semaphore_mem>>)
    %barrier3A = arith.constant 0 : index
    tpu.barrier barrier_id(%barrier3A)
    %dma_start3A_58 = arith.constant 0 : i32
    %dma_start3A_59 = arith.constant 0 : i32
    %dma_start3A_60 = arith.constant 0 : i32
    %dma_start3A_61 = arith.constant 0 : i32
    %dma_start3A_62 = tpu.memref_slice %arg9[%dma_start3A_59, %dma_start3A_60, %dma_start3A_61] : memref<2x128x128xf32, #tpu.memory_space<vmem>> -> memref<1x128x128xf32, #tpu.memory_space<vmem>>
    %dma_start3A_63 = tpu.memref_squeeze %dma_start3A_62 : memref<1x128x128xf32, #tpu.memory_space<vmem>> -> memref<128x128xf32, #tpu.memory_space<vmem>>
    %dma_start3A_64 = arith.constant 0 : i32
    %dma_start3A_65 = tpu.memref_slice %arg8[%dma_start3A_58, %dma_start3A_64] : memref<80x128xi32, #tpu.memory_space<vmem>> -> memref<1x128xi32, #tpu.memory_space<vmem>>
    %dma_start3A_66 = tpu.memref_squeeze %dma_start3A_65 : memref<1x128xi32, #tpu.memory_space<vmem>> -> memref<128xi32, #tpu.memory_space<vmem>>
    %dma_start3A_67 = arith.constant 0 : i32
    %dma_start3A_68 = arith.constant 0 : i32
    %dma_start3A_69 = tpu.memref_slice %arg2[%dma_start3A_67, %dma_start3A_68] : memref<10240x128xf32, #tpu.memory_space<hbm>> -> memref<10240x128xf32, #tpu.memory_space<hbm>>
    tpu.enqueue_indirect_dma source(%dma_start3A_69 : memref<10240x128xf32, #tpu.memory_space<hbm>>) target(%dma_start3A_63 : memref<128x128xf32, #tpu.memory_space<vmem>>) offsets(%dma_start3A_66 : memref<128xi32, #tpu.memory_space<vmem>>) semaphore(%arg11 : memref<!tpu.dma_semaphore, #tpu.memory_space<semaphore_mem>>)
    %dma_start3A_70 = arith.constant 1 : i32
    %dma_start3A_71 = arith.constant 1 : i32
    %dma_start3A_72 = arith.constant 0 : i32
    %dma_start3A_73 = arith.constant 0 : i32
    %dma_start3A_74 = tpu.memref_slice %arg9[%dma_start3A_71, %dma_start3A_72, %dma_start3A_73] : memref<2x128x128xf32, #tpu.memory_space<vmem>> -> memref<1x128x128xf32, #tpu.memory_space<vmem>>
    %dma_start3A_75 = tpu.memref_squeeze %dma_start3A_74 : memref<1x128x128xf32, #tpu.memory_space<vmem>> -> memref<128x128xf32, #tpu.memory_space<vmem>>
    %dma_start3A_76 = arith.constant 0 : i32
    %dma_start3A_77 = tpu.memref_slice %arg8[%dma_start3A_70, %dma_start3A_76] : memref<80x128xi32, #tpu.memory_space<vmem>> -> memref<1x128xi32, #tpu.memory_space<vmem>>
    %dma_start3A_78 = tpu.memref_squeeze %dma_start3A_77 : memref<1x128xi32, #tpu.memory_space<vmem>> -> memref<128xi32, #tpu.memory_space<vmem>>
    %dma_start3A_79 = arith.constant 0 : i32
    %dma_start3A_80 = arith.constant 0 : i32
    %dma_start3A_81 = tpu.memref_slice %arg2[%dma_start3A_79, %dma_start3A_80] : memref<10240x128xf32, #tpu.memory_space<hbm>> -> memref<10240x128xf32, #tpu.memory_space<hbm>>
    tpu.enqueue_indirect_dma source(%dma_start3A_81 : memref<10240x128xf32, #tpu.memory_space<hbm>>) target(%dma_start3A_75 : memref<128x128xf32, #tpu.memory_space<vmem>>) offsets(%dma_start3A_78 : memref<128xi32, #tpu.memory_space<vmem>>) semaphore(%arg11 : memref<!tpu.dma_semaphore, #tpu.memory_space<semaphore_mem>>)
    %scan3A = arith.constant 0 : i32
    %scan3A_82 = arith.constant 0 : i32
    %scan3A_83 = arith.constant 80 : i32
    %scan3A_84 = arith.addi %scan3A_82, %scan3A_83 : i32
    %scan3A_85 = arith.constant 1 : i32
    scf.for %scan3A_92 = %scan3A_82 to %scan3A_84 step %scan3A_85  : i32 {
      %rem3A = arith.constant 2 : i32
      %rem3A_93 = arith.remsi %scan3A_92, %rem3A : i32
      %rem3A_94 = arith.constant 4 : i32
      %rem3A_95 = arith.remsi %scan3A_92, %rem3A_94 : i32
      %dma_wait3A = arith.constant 0 : i32
      %dma_wait3A_96 = arith.constant 0 : i32
      %dma_wait3A_97 = tpu.memref_slice %arg9[%rem3A_93, %dma_wait3A, %dma_wait3A_96] : memref<2x128x128xf32, #tpu.memory_space<vmem>> -> memref<1x128x128xf32, #tpu.memory_space<vmem>>
      %dma_wait3A_98 = tpu.memref_squeeze %dma_wait3A_97 : memref<1x128x128xf32, #tpu.memory_space<vmem>> -> memref<128x128xf32, #tpu.memory_space<vmem>>
      %dma_wait3A_99 = arith.constant 0 : i32
      %dma_wait3A_100 = tpu.memref_slice %arg8[%scan3A_92, %dma_wait3A_99] : memref<80x128xi32, #tpu.memory_space<vmem>> -> memref<1x128xi32, #tpu.memory_space<vmem>>
      %dma_wait3A_101 = tpu.memref_squeeze %dma_wait3A_100 : memref<1x128xi32, #tpu.memory_space<vmem>> -> memref<128xi32, #tpu.memory_space<vmem>>
      %dma_wait3A_102 = arith.constant 0 : i32
      %dma_wait3A_103 = arith.constant 0 : i32
      %dma_wait3A_104 = tpu.memref_slice %arg2[%dma_wait3A_102, %dma_wait3A_103] : memref<10240x128xf32, #tpu.memory_space<hbm>> -> memref<10240x128xf32, #tpu.memory_space<hbm>>
      tpu.wait_indirect_dma semaphore(%arg11 : memref<!tpu.dma_semaphore, #tpu.memory_space<semaphore_mem>>) src(%dma_wait3A_104 : memref<10240x128xf32, #tpu.memory_space<hbm>>) dst(%dma_wait3A_98 : memref<128x128xf32, #tpu.memory_space<vmem>>)
      %dma_wait3A_105 = arith.constant 0 : i32
      %dma_wait3A_106 = tpu.memref_slice %arg7[%rem3A_95, %dma_wait3A_105] : memref<4x128xi32, #tpu.memory_space<vmem>> -> memref<1x128xi32, #tpu.memory_space<vmem>>
      %dma_wait3A_107 = tpu.memref_squeeze %dma_wait3A_106 : memref<1x128xi32, #tpu.memory_space<vmem>> -> memref<128xi32, #tpu.memory_space<vmem>>
      %dma_wait3A_108 = arith.constant 0 : i32
      %dma_wait3A_109 = tpu.memref_slice %arg3[%add3A, %scan3A_92, %dma_wait3A_108] : memref<32x80x128xi32, #tpu.memory_space<hbm>> -> memref<1x1x128xi32, #tpu.memory_space<hbm>>
      %dma_wait3A_110 = tpu.memref_squeeze %dma_wait3A_109 : memref<1x1x128xi32, #tpu.memory_space<hbm>> -> memref<128xi32, #tpu.memory_space<hbm>>
      %dma_wait3A_111 = arith.constant 0 : i32
      %dma_wait3A_112 = tpu.memref_slice %arg7[%rem3A_95, %dma_wait3A_111] : memref<4x128xi32, #tpu.memory_space<vmem>> -> memref<1x128xi32, #tpu.memory_space<vmem>>
      %dma_wait3A_113 = tpu.memref_squeeze %dma_wait3A_112 : memref<1x128xi32, #tpu.memory_space<vmem>> -> memref<128xi32, #tpu.memory_space<vmem>>
      %dma_wait3A_114 = arith.constant 0 : i32
      %dma_wait3A_115 = tpu.memref_slice %arg3[%add3A, %scan3A_92, %dma_wait3A_114] : memref<32x80x128xi32, #tpu.memory_space<hbm>> -> memref<1x1x128xi32, #tpu.memory_space<hbm>>
      %dma_wait3A_116 = tpu.memref_squeeze %dma_wait3A_115 : memref<1x1x128xi32, #tpu.memory_space<hbm>> -> memref<128xi32, #tpu.memory_space<hbm>>
      tpu.wait_dma2 semaphore(%arg12 : memref<!tpu.dma_semaphore, #tpu.memory_space<semaphore_mem>>) src(%dma_wait3A_116 : memref<128xi32, #tpu.memory_space<hbm>>) dst(%dma_wait3A_113 : memref<128xi32, #tpu.memory_space<vmem>>)
      "tpu.region"() ({
        %run_scoped3A = tpu.sem_alloc : memref<!tpu.dma_semaphore, #tpu.memory_space<semaphore_mem>>
        %dma_start3A_128 = arith.constant 0 : i32
        %dma_start3A_129 = arith.constant 0 : i32
        %dma_start3A_130 = tpu.memref_slice %arg9[%rem3A_93, %dma_start3A_128, %dma_start3A_129] : memref<2x128x128xf32, #tpu.memory_space<vmem>> -> memref<1x128x128xf32, #tpu.memory_space<vmem>>
        %dma_start3A_131 = tpu.memref_squeeze %dma_start3A_130 : memref<1x128x128xf32, #tpu.memory_space<vmem>> -> memref<128x128xf32, #tpu.memory_space<vmem>>
        %dma_start3A_132 = arith.constant 0 : i32
        %dma_start3A_133 = tpu.memref_slice %arg7[%rem3A_95, %dma_start3A_132] : memref<4x128xi32, #tpu.memory_space<vmem>> -> memref<1x128xi32, #tpu.memory_space<vmem>>
        %dma_start3A_134 = tpu.memref_squeeze %dma_start3A_133 : memref<1x128xi32, #tpu.memory_space<vmem>> -> memref<128xi32, #tpu.memory_space<vmem>>
        %dma_start3A_135 = arith.constant 0 : i32
        %dma_start3A_136 = arith.constant 0 : i32
        %dma_start3A_137 = tpu.memref_slice %arg10[%dma_start3A_135, %dma_start3A_136] : memref<10240x128xf32, #tpu.memory_space<vmem_shared>> -> memref<10240x128xf32, #tpu.memory_space<vmem_shared>>
        tpu.enqueue_indirect_dma source(%dma_start3A_131 : memref<128x128xf32, #tpu.memory_space<vmem>>) target(%dma_start3A_137 : memref<10240x128xf32, #tpu.memory_space<vmem_shared>>) offsets(%dma_start3A_134 : memref<128xi32, #tpu.memory_space<vmem>>) semaphore(%run_scoped3A : memref<!tpu.dma_semaphore, #tpu.memory_space<semaphore_mem>>) {add = true}
        %dma_wait3A_138 = arith.constant 0 : i32
        %dma_wait3A_139 = arith.constant 0 : i32
        %dma_wait3A_140 = tpu.memref_slice %arg9[%rem3A_93, %dma_wait3A_138, %dma_wait3A_139] : memref<2x128x128xf32, #tpu.memory_space<vmem>> -> memref<1x128x128xf32, #tpu.memory_space<vmem>>
        %dma_wait3A_141 = tpu.memref_squeeze %dma_wait3A_140 : memref<1x128x128xf32, #tpu.memory_space<vmem>> -> memref<128x128xf32, #tpu.memory_space<vmem>>
        %dma_wait3A_142 = arith.constant 0 : i32
        %dma_wait3A_143 = tpu.memref_slice %arg7[%rem3A_95, %dma_wait3A_142] : memref<4x128xi32, #tpu.memory_space<vmem>> -> memref<1x128xi32, #tpu.memory_space<vmem>>
        %dma_wait3A_144 = tpu.memref_squeeze %dma_wait3A_143 : memref<1x128xi32, #tpu.memory_space<vmem>> -> memref<128xi32, #tpu.memory_space<vmem>>
        %dma_wait3A_145 = arith.constant 0 : i32
        %dma_wait3A_146 = arith.constant 0 : i32
        %dma_wait3A_147 = tpu.memref_slice %arg10[%dma_wait3A_145, %dma_wait3A_146] : memref<10240x128xf32, #tpu.memory_space<vmem_shared>> -> memref<10240x128xf32, #tpu.memory_space<vmem_shared>>
        tpu.wait_indirect_dma semaphore(%run_scoped3A : memref<!tpu.dma_semaphore, #tpu.memory_space<semaphore_mem>>) src(%dma_wait3A_141 : memref<128x128xf32, #tpu.memory_space<vmem>>) dst(%dma_wait3A_147 : memref<10240x128xf32, #tpu.memory_space<vmem_shared>>)
        tpu.yield
      }) : () -> ()
      %add3A_117 = arith.constant 4 : i32
      %add3A_118 = arith.addi %scan3A_92, %add3A_117 : i32
      %lt3A = arith.constant 80 : i32
      %lt3A_119 = arith.cmpi slt, %add3A_118, %lt3A : i32
      %convert_element_type3A = arith.extui %lt3A_119 : i1 to i32
      %cond3A = arith.constant 0 : i32
      %cond3A_120 = arith.cmpi ne, %convert_element_type3A, %cond3A : i32
      scf.if %cond3A_120 {
        %add3A_128 = arith.constant 4 : i32
        %add3A_129 = arith.addi %scan3A_92, %add3A_128 : i32
        %dma_start3A_130 = arith.constant 0 : i32
        %dma_start3A_131 = tpu.memref_slice %arg7[%rem3A_95, %dma_start3A_130] : memref<4x128xi32, #tpu.memory_space<vmem>> -> memref<1x128xi32, #tpu.memory_space<vmem>>
        %dma_start3A_132 = tpu.memref_squeeze %dma_start3A_131 : memref<1x128xi32, #tpu.memory_space<vmem>> -> memref<128xi32, #tpu.memory_space<vmem>>
        %dma_start3A_133 = arith.constant 0 : i32
        %dma_start3A_134 = tpu.memref_slice %arg3[%add3A, %add3A_129, %dma_start3A_133] : memref<32x80x128xi32, #tpu.memory_space<hbm>> -> memref<1x1x128xi32, #tpu.memory_space<hbm>>
        %dma_start3A_135 = tpu.memref_squeeze %dma_start3A_134 : memref<1x1x128xi32, #tpu.memory_space<hbm>> -> memref<128xi32, #tpu.memory_space<hbm>>
        %dma_start3A_136 = arith.constant 0 : i32
        %dma_start3A_137 = tpu.memref_slice %arg7[%rem3A_95, %dma_start3A_136] : memref<4x128xi32, #tpu.memory_space<vmem>> -> memref<1x128xi32, #tpu.memory_space<vmem>>
        %dma_start3A_138 = tpu.memref_squeeze %dma_start3A_137 : memref<1x128xi32, #tpu.memory_space<vmem>> -> memref<128xi32, #tpu.memory_space<vmem>>
        %dma_start3A_139 = arith.constant 0 : i32
        %dma_start3A_140 = tpu.memref_slice %arg3[%add3A, %add3A_129, %dma_start3A_139] : memref<32x80x128xi32, #tpu.memory_space<hbm>> -> memref<1x1x128xi32, #tpu.memory_space<hbm>>
        %dma_start3A_141 = tpu.memref_squeeze %dma_start3A_140 : memref<1x1x128xi32, #tpu.memory_space<hbm>> -> memref<128xi32, #tpu.memory_space<hbm>>
        tpu.enqueue_dma source(%dma_start3A_141 : memref<128xi32, #tpu.memory_space<hbm>>) target(%dma_start3A_138 : memref<128xi32, #tpu.memory_space<vmem>>) target_semaphore(%arg12 : memref<!tpu.dma_semaphore, #tpu.memory_space<semaphore_mem>>)
      } else {
      }
      %add3A_121 = arith.constant 2 : i32
      %add3A_122 = arith.addi %scan3A_92, %add3A_121 : i32
      %lt3A_123 = arith.constant 80 : i32
      %lt3A_124 = arith.cmpi slt, %add3A_122, %lt3A_123 : i32
      %convert_element_type3A_125 = arith.extui %lt3A_124 : i1 to i32
      %cond3A_126 = arith.constant 0 : i32
      %cond3A_127 = arith.cmpi ne, %convert_element_type3A_125, %cond3A_126 : i32
      scf.if %cond3A_127 {
        %add3A_128 = arith.constant 2 : i32
        %add3A_129 = arith.addi %scan3A_92, %add3A_128 : i32
        %dma_start3A_130 = arith.constant 0 : i32
        %dma_start3A_131 = arith.constant 0 : i32
        %dma_start3A_132 = tpu.memref_slice %arg9[%rem3A_93, %dma_start3A_130, %dma_start3A_131] : memref<2x128x128xf32, #tpu.memory_space<vmem>> -> memref<1x128x128xf32, #tpu.memory_space<vmem>>
        %dma_start3A_133 = tpu.memref_squeeze %dma_start3A_132 : memref<1x128x128xf32, #tpu.memory_space<vmem>> -> memref<128x128xf32, #tpu.memory_space<vmem>>
        %dma_start3A_134 = arith.constant 0 : i32
        %dma_start3A_135 = tpu.memref_slice %arg8[%add3A_129, %dma_start3A_134] : memref<80x128xi32, #tpu.memory_space<vmem>> -> memref<1x128xi32, #tpu.memory_space<vmem>>
        %dma_start3A_136 = tpu.memref_squeeze %dma_start3A_135 : memref<1x128xi32, #tpu.memory_space<vmem>> -> memref<128xi32, #tpu.memory_space<vmem>>
        %dma_start3A_137 = arith.constant 0 : i32
        %dma_start3A_138 = arith.constant 0 : i32
        %dma_start3A_139 = tpu.memref_slice %arg2[%dma_start3A_137, %dma_start3A_138] : memref<10240x128xf32, #tpu.memory_space<hbm>> -> memref<10240x128xf32, #tpu.memory_space<hbm>>
        tpu.enqueue_indirect_dma source(%dma_start3A_139 : memref<10240x128xf32, #tpu.memory_space<hbm>>) target(%dma_start3A_133 : memref<128x128xf32, #tpu.memory_space<vmem>>) offsets(%dma_start3A_136 : memref<128xi32, #tpu.memory_space<vmem>>) semaphore(%arg11 : memref<!tpu.dma_semaphore, #tpu.memory_space<semaphore_mem>>)
      } else {
      }
    }
    %scan3A_86 = arith.constant 80 : i32
    %barrier3A_87 = arith.constant 0 : index
    tpu.barrier barrier_id(%barrier3A_87)
    %mul3A_88 = arith.constant 640 : i32
    %mul3A_89 = arith.muli %arg1, %mul3A_88 : i32
    %mul3A_90 = arith.constant 640 : i32
    %mul3A_91 = arith.muli %arg1, %mul3A_90 : i32
    "tpu.region"() ({
      %run_scoped3A = tpu.sem_alloc : memref<!tpu.dma_semaphore, #tpu.memory_space<semaphore_mem>>
      %dma_start3A_92 = arith.constant 0 : i32
      %dma_start3A_93 = tpu.memref_slice %arg6[%arg0, %mul3A_91, %dma_start3A_92] : memref<2x10240x128xf32, #tpu.memory_space<hbm>> -> memref<1x640x128xf32, #tpu.memory_space<hbm>>
      %dma_start3A_94 = tpu.memref_squeeze %dma_start3A_93 : memref<1x640x128xf32, #tpu.memory_space<hbm>> -> memref<640x128xf32, #tpu.memory_space<hbm>>
      %dma_start3A_95 = arith.constant 0 : i32
      %dma_start3A_96 = tpu.memref_slice %arg10[%mul3A_89, %dma_start3A_95] : memref<10240x128xf32, #tpu.memory_space<vmem_shared>> -> memref<640x128xf32, #tpu.memory_space<vmem_shared>>
      tpu.enqueue_dma source(%dma_start3A_96 : memref<640x128xf32, #tpu.memory_space<vmem_shared>>) target(%dma_start3A_94 : memref<640x128xf32, #tpu.memory_space<hbm>>) target_semaphore(%run_scoped3A : memref<!tpu.dma_semaphore, #tpu.memory_space<semaphore_mem>>)
      %dma_wait3A = arith.constant 0 : i32
      %dma_wait3A_97 = tpu.memref_slice %arg6[%arg0, %mul3A_91, %dma_wait3A] : memref<2x10240x128xf32, #tpu.memory_space<hbm>> -> memref<1x640x128xf32, #tpu.memory_space<hbm>>
      %dma_wait3A_98 = tpu.memref_squeeze %dma_wait3A_97 : memref<1x640x128xf32, #tpu.memory_space<hbm>> -> memref<640x128xf32, #tpu.memory_space<hbm>>
      %dma_wait3A_99 = arith.constant 0 : i32
      %dma_wait3A_100 = tpu.memref_slice %arg10[%mul3A_89, %dma_wait3A_99] : memref<10240x128xf32, #tpu.memory_space<vmem_shared>> -> memref<640x128xf32, #tpu.memory_space<vmem_shared>>
      tpu.wait_dma2 semaphore(%run_scoped3A : memref<!tpu.dma_semaphore, #tpu.memory_space<semaphore_mem>>) src(%dma_wait3A_100 : memref<640x128xf32, #tpu.memory_space<vmem_shared>>) dst(%dma_wait3A_98 : memref<640x128xf32, #tpu.memory_space<hbm>>)
      tpu.yield
    }) : () -> ()
    return
  }
}

#map = affine_map<(d0, d1) -> (0, 0)>
#map1 = affine_map<(d0, d1) -> (0, 0, 0)>
module attributes {stable_mosaic.version = 14 : i64} {
  func.func @_scatter_kernel(%arg0: i32, %arg1: i32, %arg2: memref<10240x128xf32, #tpu.memory_space<hbm>>, %arg3: memref<32x80x128xi32, #tpu.memory_space<hbm>>, %arg4: memref<32x80x128xi32, #tpu.memory_space<hbm>>, %arg5: memref<640x128xf32, #tpu.memory_space<hbm>>, %arg6: memref<2x10240x128xf32, #tpu.memory_space<hbm>>, %arg7: memref<4x128xi32, #tpu.memory_space<vmem>>, %arg8: memref<80x128xi32, #tpu.memory_space<vmem>>, %arg9: memref<2x128x128xf32, #tpu.memory_space<vmem>>, %arg10: memref<10240x128xf32, #tpu.memory_space<vmem_shared>>, %arg11: memref<!tpu.dma_semaphore, #tpu.memory_space<semaphore_mem>>, %arg12: memref<!tpu.dma_semaphore, #tpu.memory_space<semaphore_mem>>) attributes {dimension_semantics = [#tpu.dimension_semantics<core_parallel>, #tpu.dimension_semantics<subcore_parallel>], iteration_bounds = array<i64: 2, 16>, scalar_prefetch = 0 : i64, scratch_operands = 6 : i64, tpu.core_type = #tpu.core_type<sc_vector_subcore>, window_params = [{transform_indices = #map}, {transform_indices = #map1}, {transform_indices = #map1}, {transform_indices = #map}, {transform_indices = #map1}]} {
    %mul3A = arith.constant 16 : i32
    %mul3A_0 = arith.muli %arg0, %mul3A : i32
    %add3A = arith.addi %mul3A_0, %arg1 : i32
    %mul3A_1 = arith.constant 640 : i32
    %mul3A_2 = arith.muli %arg1, %mul3A_1 : i32
    "tpu.region"() ({
      %run_scoped3A = tpu.sem_alloc : memref<!tpu.dma_semaphore, #tpu.memory_space<semaphore_mem>>
      %dma_start3A_92 = arith.constant 0 : i32
      %dma_start3A_93 = tpu.memref_slice %arg10[%mul3A_2, %dma_start3A_92] : memref<10240x128xf32, #tpu.memory_space<vmem_shared>> -> memref<640x128xf32, #tpu.memory_space<vmem_shared>>
      tpu.enqueue_dma source(%arg5 : memref<640x128xf32, #tpu.memory_space<hbm>>) target(%dma_start3A_93 : memref<640x128xf32, #tpu.memory_space<vmem_shared>>) target_semaphore(%run_scoped3A : memref<!tpu.dma_semaphore, #tpu.memory_space<semaphore_mem>>)
      %dma_wait3A = arith.constant 0 : i32
      %dma_wait3A_94 = tpu.memref_slice %arg10[%mul3A_2, %dma_wait3A] : memref<10240x128xf32, #tpu.memory_space<vmem_shared>> -> memref<640x128xf32, #tpu.memory_space<vmem_shared>>
      tpu.wait_dma2 semaphore(%run_scoped3A : memref<!tpu.dma_semaphore, #tpu.memory_space<semaphore_mem>>) src(%arg5 : memref<640x128xf32, #tpu.memory_space<hbm>>) dst(%dma_wait3A_94 : memref<640x128xf32, #tpu.memory_space<vmem_shared>>)
      tpu.yield
    }) : () -> ()
    "tpu.region"() ({
      %run_scoped3A = tpu.sem_alloc : memref<!tpu.dma_semaphore, #tpu.memory_space<semaphore_mem>>
      %dma_start3A_92 = arith.constant 0 : i32
      %dma_start3A_93 = arith.constant 0 : i32
      %dma_start3A_94 = tpu.memref_slice %arg4[%add3A, %dma_start3A_92, %dma_start3A_93] : memref<32x80x128xi32, #tpu.memory_space<hbm>> -> memref<1x80x128xi32, #tpu.memory_space<hbm>>
      %dma_start3A_95 = tpu.memref_squeeze %dma_start3A_94 : memref<1x80x128xi32, #tpu.memory_space<hbm>> -> memref<80x128xi32, #tpu.memory_space<hbm>>
      %dma_start3A_96 = arith.constant 0 : i32
      %dma_start3A_97 = arith.constant 0 : i32
      %dma_start3A_98 = tpu.memref_slice %arg4[%add3A, %dma_start3A_96, %dma_start3A_97] : memref<32x80x128xi32, #tpu.memory_space<hbm>> -> memref<1x80x128xi32, #tpu.memory_space<hbm>>
      %dma_start3A_99 = tpu.memref_squeeze %dma_start3A_98 : memref<1x80x128xi32, #tpu.memory_space<hbm>> -> memref<80x128xi32, #tpu.memory_space<hbm>>
      tpu.enqueue_dma source(%dma_start3A_99 : memref<80x128xi32, #tpu.memory_space<hbm>>) target(%arg8 : memref<80x128xi32, #tpu.memory_space<vmem>>) target_semaphore(%run_scoped3A : memref<!tpu.dma_semaphore, #tpu.memory_space<semaphore_mem>>)
      %dma_wait3A = arith.constant 0 : i32
      %dma_wait3A_100 = arith.constant 0 : i32
      %dma_wait3A_101 = tpu.memref_slice %arg4[%add3A, %dma_wait3A, %dma_wait3A_100] : memref<32x80x128xi32, #tpu.memory_space<hbm>> -> memref<1x80x128xi32, #tpu.memory_space<hbm>>
      %dma_wait3A_102 = tpu.memref_squeeze %dma_wait3A_101 : memref<1x80x128xi32, #tpu.memory_space<hbm>> -> memref<80x128xi32, #tpu.memory_space<hbm>>
      %dma_wait3A_103 = arith.constant 0 : i32
      %dma_wait3A_104 = arith.constant 0 : i32
      %dma_wait3A_105 = tpu.memref_slice %arg4[%add3A, %dma_wait3A_103, %dma_wait3A_104] : memref<32x80x128xi32, #tpu.memory_space<hbm>> -> memref<1x80x128xi32, #tpu.memory_space<hbm>>
      %dma_wait3A_106 = tpu.memref_squeeze %dma_wait3A_105 : memref<1x80x128xi32, #tpu.memory_space<hbm>> -> memref<80x128xi32, #tpu.memory_space<hbm>>
      tpu.wait_dma2 semaphore(%run_scoped3A : memref<!tpu.dma_semaphore, #tpu.memory_space<semaphore_mem>>) src(%dma_wait3A_106 : memref<80x128xi32, #tpu.memory_space<hbm>>) dst(%arg8 : memref<80x128xi32, #tpu.memory_space<vmem>>)
      tpu.yield
    }) : () -> ()
    %dma_start3A = arith.constant 0 : i32
    %dma_start3A_3 = arith.constant 0 : i32
    %dma_start3A_4 = arith.constant 0 : i32
    %dma_start3A_5 = tpu.memref_slice %arg7[%dma_start3A_3, %dma_start3A_4] : memref<4x128xi32, #tpu.memory_space<vmem>> -> memref<1x128xi32, #tpu.memory_space<vmem>>
    %dma_start3A_6 = tpu.memref_squeeze %dma_start3A_5 : memref<1x128xi32, #tpu.memory_space<vmem>> -> memref<128xi32, #tpu.memory_space<vmem>>
    %dma_start3A_7 = arith.constant 0 : i32
    %dma_start3A_8 = tpu.memref_slice %arg3[%add3A, %dma_start3A, %dma_start3A_7] : memref<32x80x128xi32, #tpu.memory_space<hbm>> -> memref<1x1x128xi32, #tpu.memory_space<hbm>>
    %dma_start3A_9 = tpu.memref_squeeze %dma_start3A_8 : memref<1x1x128xi32, #tpu.memory_space<hbm>> -> memref<128xi32, #tpu.memory_space<hbm>>
    %dma_start3A_10 = arith.constant 0 : i32
    %dma_start3A_11 = tpu.memref_slice %arg7[%dma_start3A_3, %dma_start3A_10] : memref<4x128xi32, #tpu.memory_space<vmem>> -> memref<1x128xi32, #tpu.memory_space<vmem>>
    %dma_start3A_12 = tpu.memref_squeeze %dma_start3A_11 : memref<1x128xi32, #tpu.memory_space<vmem>> -> memref<128xi32, #tpu.memory_space<vmem>>
    %dma_start3A_13 = arith.constant 0 : i32
    %dma_start3A_14 = tpu.memref_slice %arg3[%add3A, %dma_start3A, %dma_start3A_13] : memref<32x80x128xi32, #tpu.memory_space<hbm>> -> memref<1x1x128xi32, #tpu.memory_space<hbm>>
    %dma_start3A_15 = tpu.memref_squeeze %dma_start3A_14 : memref<1x1x128xi32, #tpu.memory_space<hbm>> -> memref<128xi32, #tpu.memory_space<hbm>>
    tpu.enqueue_dma source(%dma_start3A_15 : memref<128xi32, #tpu.memory_space<hbm>>) target(%dma_start3A_12 : memref<128xi32, #tpu.memory_space<vmem>>) target_semaphore(%arg12 : memref<!tpu.dma_semaphore, #tpu.memory_space<semaphore_mem>>)
    %dma_start3A_16 = arith.constant 1 : i32
    %dma_start3A_17 = arith.constant 1 : i32
    %dma_start3A_18 = arith.constant 0 : i32
    %dma_start3A_19 = tpu.memref_slice %arg7[%dma_start3A_17, %dma_start3A_18] : memref<4x128xi32, #tpu.memory_space<vmem>> -> memref<1x128xi32, #tpu.memory_space<vmem>>
    %dma_start3A_20 = tpu.memref_squeeze %dma_start3A_19 : memref<1x128xi32, #tpu.memory_space<vmem>> -> memref<128xi32, #tpu.memory_space<vmem>>
    %dma_start3A_21 = arith.constant 0 : i32
    %dma_start3A_22 = tpu.memref_slice %arg3[%add3A, %dma_start3A_16, %dma_start3A_21] : memref<32x80x128xi32, #tpu.memory_space<hbm>> -> memref<1x1x128xi32, #tpu.memory_space<hbm>>
    %dma_start3A_23 = tpu.memref_squeeze %dma_start3A_22 : memref<1x1x128xi32, #tpu.memory_space<hbm>> -> memref<128xi32, #tpu.memory_space<hbm>>
    %dma_start3A_24 = arith.constant 0 : i32
    %dma_start3A_25 = tpu.memref_slice %arg7[%dma_start3A_17, %dma_start3A_24] : memref<4x128xi32, #tpu.memory_space<vmem>> -> memref<1x128xi32, #tpu.memory_space<vmem>>
    %dma_start3A_26 = tpu.memref_squeeze %dma_start3A_25 : memref<1x128xi32, #tpu.memory_space<vmem>> -> memref<128xi32, #tpu.memory_space<vmem>>
    %dma_start3A_27 = arith.constant 0 : i32
    %dma_start3A_28 = tpu.memref_slice %arg3[%add3A, %dma_start3A_16, %dma_start3A_27] : memref<32x80x128xi32, #tpu.memory_space<hbm>> -> memref<1x1x128xi32, #tpu.memory_space<hbm>>
    %dma_start3A_29 = tpu.memref_squeeze %dma_start3A_28 : memref<1x1x128xi32, #tpu.memory_space<hbm>> -> memref<128xi32, #tpu.memory_space<hbm>>
    tpu.enqueue_dma source(%dma_start3A_29 : memref<128xi32, #tpu.memory_space<hbm>>) target(%dma_start3A_26 : memref<128xi32, #tpu.memory_space<vmem>>) target_semaphore(%arg12 : memref<!tpu.dma_semaphore, #tpu.memory_space<semaphore_mem>>)
    %dma_start3A_30 = arith.constant 2 : i32
    %dma_start3A_31 = arith.constant 2 : i32
    %dma_start3A_32 = arith.constant 0 : i32
    %dma_start3A_33 = tpu.memref_slice %arg7[%dma_start3A_31, %dma_start3A_32] : memref<4x128xi32, #tpu.memory_space<vmem>> -> memref<1x128xi32, #tpu.memory_space<vmem>>
    %dma_start3A_34 = tpu.memref_squeeze %dma_start3A_33 : memref<1x128xi32, #tpu.memory_space<vmem>> -> memref<128xi32, #tpu.memory_space<vmem>>
    %dma_start3A_35 = arith.constant 0 : i32
    %dma_start3A_36 = tpu.memref_slice %arg3[%add3A, %dma_start3A_30, %dma_start3A_35] : memref<32x80x128xi32, #tpu.memory_space<hbm>> -> memref<1x1x128xi32, #tpu.memory_space<hbm>>
    %dma_start3A_37 = tpu.memref_squeeze %dma_start3A_36 : memref<1x1x128xi32, #tpu.memory_space<hbm>> -> memref<128xi32, #tpu.memory_space<hbm>>
    %dma_start3A_38 = arith.constant 0 : i32
    %dma_start3A_39 = tpu.memref_slice %arg7[%dma_start3A_31, %dma_start3A_38] : memref<4x128xi32, #tpu.memory_space<vmem>> -> memref<1x128xi32, #tpu.memory_space<vmem>>
    %dma_start3A_40 = tpu.memref_squeeze %dma_start3A_39 : memref<1x128xi32, #tpu.memory_space<vmem>> -> memref<128xi32, #tpu.memory_space<vmem>>
    %dma_start3A_41 = arith.constant 0 : i32
    %dma_start3A_42 = tpu.memref_slice %arg3[%add3A, %dma_start3A_30, %dma_start3A_41] : memref<32x80x128xi32, #tpu.memory_space<hbm>> -> memref<1x1x128xi32, #tpu.memory_space<hbm>>
    %dma_start3A_43 = tpu.memref_squeeze %dma_start3A_42 : memref<1x1x128xi32, #tpu.memory_space<hbm>> -> memref<128xi32, #tpu.memory_space<hbm>>
    tpu.enqueue_dma source(%dma_start3A_43 : memref<128xi32, #tpu.memory_space<hbm>>) target(%dma_start3A_40 : memref<128xi32, #tpu.memory_space<vmem>>) target_semaphore(%arg12 : memref<!tpu.dma_semaphore, #tpu.memory_space<semaphore_mem>>)
    %dma_start3A_44 = arith.constant 3 : i32
    %dma_start3A_45 = arith.constant 3 : i32
    %dma_start3A_46 = arith.constant 0 : i32
    %dma_start3A_47 = tpu.memref_slice %arg7[%dma_start3A_45, %dma_start3A_46] : memref<4x128xi32, #tpu.memory_space<vmem>> -> memref<1x128xi32, #tpu.memory_space<vmem>>
    %dma_start3A_48 = tpu.memref_squeeze %dma_start3A_47 : memref<1x128xi32, #tpu.memory_space<vmem>> -> memref<128xi32, #tpu.memory_space<vmem>>
    %dma_start3A_49 = arith.constant 0 : i32
    %dma_start3A_50 = tpu.memref_slice %arg3[%add3A, %dma_start3A_44, %dma_start3A_49] : memref<32x80x128xi32, #tpu.memory_space<hbm>> -> memref<1x1x128xi32, #tpu.memory_space<hbm>>
    %dma_start3A_51 = tpu.memref_squeeze %dma_start3A_50 : memref<1x1x128xi32, #tpu.memory_space<hbm>> -> memref<128xi32, #tpu.memory_space<hbm>>
    %dma_start3A_52 = arith.constant 0 : i32
    %dma_start3A_53 = tpu.memref_slice %arg7[%dma_start3A_45, %dma_start3A_52] : memref<4x128xi32, #tpu.memory_space<vmem>> -> memref<1x128xi32, #tpu.memory_space<vmem>>
    %dma_start3A_54 = tpu.memref_squeeze %dma_start3A_53 : memref<1x128xi32, #tpu.memory_space<vmem>> -> memref<128xi32, #tpu.memory_space<vmem>>
    %dma_start3A_55 = arith.constant 0 : i32
    %dma_start3A_56 = tpu.memref_slice %arg3[%add3A, %dma_start3A_44, %dma_start3A_55] : memref<32x80x128xi32, #tpu.memory_space<hbm>> -> memref<1x1x128xi32, #tpu.memory_space<hbm>>
    %dma_start3A_57 = tpu.memref_squeeze %dma_start3A_56 : memref<1x1x128xi32, #tpu.memory_space<hbm>> -> memref<128xi32, #tpu.memory_space<hbm>>
    tpu.enqueue_dma source(%dma_start3A_57 : memref<128xi32, #tpu.memory_space<hbm>>) target(%dma_start3A_54 : memref<128xi32, #tpu.memory_space<vmem>>) target_semaphore(%arg12 : memref<!tpu.dma_semaphore, #tpu.memory_space<semaphore_mem>>)
    %barrier3A = arith.constant 0 : index
    tpu.barrier barrier_id(%barrier3A)
    %dma_start3A_58 = arith.constant 0 : i32
    %dma_start3A_59 = arith.constant 0 : i32
    %dma_start3A_60 = arith.constant 0 : i32
    %dma_start3A_61 = arith.constant 0 : i32
    %dma_start3A_62 = tpu.memref_slice %arg9[%dma_start3A_59, %dma_start3A_60, %dma_start3A_61] : memref<2x128x128xf32, #tpu.memory_space<vmem>> -> memref<1x128x128xf32, #tpu.memory_space<vmem>>
    %dma_start3A_63 = tpu.memref_squeeze %dma_start3A_62 : memref<1x128x128xf32, #tpu.memory_space<vmem>> -> memref<128x128xf32, #tpu.memory_space<vmem>>
    %dma_start3A_64 = arith.constant 0 : i32
    %dma_start3A_65 = tpu.memref_slice %arg8[%dma_start3A_58, %dma_start3A_64] : memref<80x128xi32, #tpu.memory_space<vmem>> -> memref<1x128xi32, #tpu.memory_space<vmem>>
    %dma_start3A_66 = tpu.memref_squeeze %dma_start3A_65 : memref<1x128xi32, #tpu.memory_space<vmem>> -> memref<128xi32, #tpu.memory_space<vmem>>
    %dma_start3A_67 = arith.constant 0 : i32
    %dma_start3A_68 = arith.constant 0 : i32
    %dma_start3A_69 = tpu.memref_slice %arg2[%dma_start3A_67, %dma_start3A_68] : memref<10240x128xf32, #tpu.memory_space<hbm>> -> memref<10240x128xf32, #tpu.memory_space<hbm>>
    tpu.enqueue_indirect_dma source(%dma_start3A_69 : memref<10240x128xf32, #tpu.memory_space<hbm>>) target(%dma_start3A_63 : memref<128x128xf32, #tpu.memory_space<vmem>>) offsets(%dma_start3A_66 : memref<128xi32, #tpu.memory_space<vmem>>) semaphore(%arg11 : memref<!tpu.dma_semaphore, #tpu.memory_space<semaphore_mem>>)
    %dma_start3A_70 = arith.constant 1 : i32
    %dma_start3A_71 = arith.constant 1 : i32
    %dma_start3A_72 = arith.constant 0 : i32
    %dma_start3A_73 = arith.constant 0 : i32
    %dma_start3A_74 = tpu.memref_slice %arg9[%dma_start3A_71, %dma_start3A_72, %dma_start3A_73] : memref<2x128x128xf32, #tpu.memory_space<vmem>> -> memref<1x128x128xf32, #tpu.memory_space<vmem>>
    %dma_start3A_75 = tpu.memref_squeeze %dma_start3A_74 : memref<1x128x128xf32, #tpu.memory_space<vmem>> -> memref<128x128xf32, #tpu.memory_space<vmem>>
    %dma_start3A_76 = arith.constant 0 : i32
    %dma_start3A_77 = tpu.memref_slice %arg8[%dma_start3A_70, %dma_start3A_76] : memref<80x128xi32, #tpu.memory_space<vmem>> -> memref<1x128xi32, #tpu.memory_space<vmem>>
    %dma_start3A_78 = tpu.memref_squeeze %dma_start3A_77 : memref<1x128xi32, #tpu.memory_space<vmem>> -> memref<128xi32, #tpu.memory_space<vmem>>
    %dma_start3A_79 = arith.constant 0 : i32
    %dma_start3A_80 = arith.constant 0 : i32
    %dma_start3A_81 = tpu.memref_slice %arg2[%dma_start3A_79, %dma_start3A_80] : memref<10240x128xf32, #tpu.memory_space<hbm>> -> memref<10240x128xf32, #tpu.memory_space<hbm>>
    tpu.enqueue_indirect_dma source(%dma_start3A_81 : memref<10240x128xf32, #tpu.memory_space<hbm>>) target(%dma_start3A_75 : memref<128x128xf32, #tpu.memory_space<vmem>>) offsets(%dma_start3A_78 : memref<128xi32, #tpu.memory_space<vmem>>) semaphore(%arg11 : memref<!tpu.dma_semaphore, #tpu.memory_space<semaphore_mem>>)
    %scan3A = arith.constant 0 : i32
    %scan3A_82 = arith.constant 0 : i32
    %scan3A_83 = arith.constant 80 : i32
    %scan3A_84 = arith.addi %scan3A_82, %scan3A_83 : i32
    %scan3A_85 = arith.constant 1 : i32
    scf.for %scan3A_92 = %scan3A_82 to %scan3A_84 step %scan3A_85  : i32 {
      %rem3A = arith.constant 2 : i32
      %rem3A_93 = arith.remsi %scan3A_92, %rem3A : i32
      %rem3A_94 = arith.constant 4 : i32
      %rem3A_95 = arith.remsi %scan3A_92, %rem3A_94 : i32
      %dma_wait3A = arith.constant 0 : i32
      %dma_wait3A_96 = arith.constant 0 : i32
      %dma_wait3A_97 = tpu.memref_slice %arg9[%rem3A_93, %dma_wait3A, %dma_wait3A_96] : memref<2x128x128xf32, #tpu.memory_space<vmem>> -> memref<1x128x128xf32, #tpu.memory_space<vmem>>
      %dma_wait3A_98 = tpu.memref_squeeze %dma_wait3A_97 : memref<1x128x128xf32, #tpu.memory_space<vmem>> -> memref<128x128xf32, #tpu.memory_space<vmem>>
      %dma_wait3A_99 = arith.constant 0 : i32
      %dma_wait3A_100 = tpu.memref_slice %arg8[%scan3A_92, %dma_wait3A_99] : memref<80x128xi32, #tpu.memory_space<vmem>> -> memref<1x128xi32, #tpu.memory_space<vmem>>
      %dma_wait3A_101 = tpu.memref_squeeze %dma_wait3A_100 : memref<1x128xi32, #tpu.memory_space<vmem>> -> memref<128xi32, #tpu.memory_space<vmem>>
      %dma_wait3A_102 = arith.constant 0 : i32
      %dma_wait3A_103 = arith.constant 0 : i32
      %dma_wait3A_104 = tpu.memref_slice %arg2[%dma_wait3A_102, %dma_wait3A_103] : memref<10240x128xf32, #tpu.memory_space<hbm>> -> memref<10240x128xf32, #tpu.memory_space<hbm>>
      tpu.wait_indirect_dma semaphore(%arg11 : memref<!tpu.dma_semaphore, #tpu.memory_space<semaphore_mem>>) src(%dma_wait3A_104 : memref<10240x128xf32, #tpu.memory_space<hbm>>) dst(%dma_wait3A_98 : memref<128x128xf32, #tpu.memory_space<vmem>>)
      %dma_wait3A_105 = arith.constant 0 : i32
      %dma_wait3A_106 = tpu.memref_slice %arg7[%rem3A_95, %dma_wait3A_105] : memref<4x128xi32, #tpu.memory_space<vmem>> -> memref<1x128xi32, #tpu.memory_space<vmem>>
      %dma_wait3A_107 = tpu.memref_squeeze %dma_wait3A_106 : memref<1x128xi32, #tpu.memory_space<vmem>> -> memref<128xi32, #tpu.memory_space<vmem>>
      %dma_wait3A_108 = arith.constant 0 : i32
      %dma_wait3A_109 = tpu.memref_slice %arg3[%add3A, %scan3A_92, %dma_wait3A_108] : memref<32x80x128xi32, #tpu.memory_space<hbm>> -> memref<1x1x128xi32, #tpu.memory_space<hbm>>
      %dma_wait3A_110 = tpu.memref_squeeze %dma_wait3A_109 : memref<1x1x128xi32, #tpu.memory_space<hbm>> -> memref<128xi32, #tpu.memory_space<hbm>>
      %dma_wait3A_111 = arith.constant 0 : i32
      %dma_wait3A_112 = tpu.memref_slice %arg7[%rem3A_95, %dma_wait3A_111] : memref<4x128xi32, #tpu.memory_space<vmem>> -> memref<1x128xi32, #tpu.memory_space<vmem>>
      %dma_wait3A_113 = tpu.memref_squeeze %dma_wait3A_112 : memref<1x128xi32, #tpu.memory_space<vmem>> -> memref<128xi32, #tpu.memory_space<vmem>>
      %dma_wait3A_114 = arith.constant 0 : i32
      %dma_wait3A_115 = tpu.memref_slice %arg3[%add3A, %scan3A_92, %dma_wait3A_114] : memref<32x80x128xi32, #tpu.memory_space<hbm>> -> memref<1x1x128xi32, #tpu.memory_space<hbm>>
      %dma_wait3A_116 = tpu.memref_squeeze %dma_wait3A_115 : memref<1x1x128xi32, #tpu.memory_space<hbm>> -> memref<128xi32, #tpu.memory_space<hbm>>
      tpu.wait_dma2 semaphore(%arg12 : memref<!tpu.dma_semaphore, #tpu.memory_space<semaphore_mem>>) src(%dma_wait3A_116 : memref<128xi32, #tpu.memory_space<hbm>>) dst(%dma_wait3A_113 : memref<128xi32, #tpu.memory_space<vmem>>)
      "tpu.region"() ({
        %run_scoped3A = tpu.sem_alloc : memref<!tpu.dma_semaphore, #tpu.memory_space<semaphore_mem>>
        %dma_start3A_128 = arith.constant 0 : i32
        %dma_start3A_129 = arith.constant 0 : i32
        %dma_start3A_130 = tpu.memref_slice %arg9[%rem3A_93, %dma_start3A_128, %dma_start3A_129] : memref<2x128x128xf32, #tpu.memory_space<vmem>> -> memref<1x128x128xf32, #tpu.memory_space<vmem>>
        %dma_start3A_131 = tpu.memref_squeeze %dma_start3A_130 : memref<1x128x128xf32, #tpu.memory_space<vmem>> -> memref<128x128xf32, #tpu.memory_space<vmem>>
        %dma_start3A_132 = arith.constant 0 : i32
        %dma_start3A_133 = tpu.memref_slice %arg7[%rem3A_95, %dma_start3A_132] : memref<4x128xi32, #tpu.memory_space<vmem>> -> memref<1x128xi32, #tpu.memory_space<vmem>>
        %dma_start3A_134 = tpu.memref_squeeze %dma_start3A_133 : memref<1x128xi32, #tpu.memory_space<vmem>> -> memref<128xi32, #tpu.memory_space<vmem>>
        %dma_start3A_135 = arith.constant 0 : i32
        %dma_start3A_136 = arith.constant 0 : i32
        %dma_start3A_137 = tpu.memref_slice %arg10[%dma_start3A_135, %dma_start3A_136] : memref<10240x128xf32, #tpu.memory_space<vmem_shared>> -> memref<10240x128xf32, #tpu.memory_space<vmem_shared>>
        tpu.enqueue_indirect_dma source(%dma_start3A_131 : memref<128x128xf32, #tpu.memory_space<vmem>>) target(%dma_start3A_137 : memref<10240x128xf32, #tpu.memory_space<vmem_shared>>) offsets(%dma_start3A_134 : memref<128xi32, #tpu.memory_space<vmem>>) semaphore(%run_scoped3A : memref<!tpu.dma_semaphore, #tpu.memory_space<semaphore_mem>>) {add = true}
        %dma_wait3A_138 = arith.constant 0 : i32
        %dma_wait3A_139 = arith.constant 0 : i32
        %dma_wait3A_140 = tpu.memref_slice %arg9[%rem3A_93, %dma_wait3A_138, %dma_wait3A_139] : memref<2x128x128xf32, #tpu.memory_space<vmem>> -> memref<1x128x128xf32, #tpu.memory_space<vmem>>
        %dma_wait3A_141 = tpu.memref_squeeze %dma_wait3A_140 : memref<1x128x128xf32, #tpu.memory_space<vmem>> -> memref<128x128xf32, #tpu.memory_space<vmem>>
        %dma_wait3A_142 = arith.constant 0 : i32
        %dma_wait3A_143 = tpu.memref_slice %arg7[%rem3A_95, %dma_wait3A_142] : memref<4x128xi32, #tpu.memory_space<vmem>> -> memref<1x128xi32, #tpu.memory_space<vmem>>
        %dma_wait3A_144 = tpu.memref_squeeze %dma_wait3A_143 : memref<1x128xi32, #tpu.memory_space<vmem>> -> memref<128xi32, #tpu.memory_space<vmem>>
        %dma_wait3A_145 = arith.constant 0 : i32
        %dma_wait3A_146 = arith.constant 0 : i32
        %dma_wait3A_147 = tpu.memref_slice %arg10[%dma_wait3A_145, %dma_wait3A_146] : memref<10240x128xf32, #tpu.memory_space<vmem_shared>> -> memref<10240x128xf32, #tpu.memory_space<vmem_shared>>
        tpu.wait_indirect_dma semaphore(%run_scoped3A : memref<!tpu.dma_semaphore, #tpu.memory_space<semaphore_mem>>) src(%dma_wait3A_141 : memref<128x128xf32, #tpu.memory_space<vmem>>) dst(%dma_wait3A_147 : memref<10240x128xf32, #tpu.memory_space<vmem_shared>>)
        tpu.yield
      }) : () -> ()
      %add3A_117 = arith.constant 4 : i32
      %add3A_118 = arith.addi %scan3A_92, %add3A_117 : i32
      %lt3A = arith.constant 80 : i32
      %lt3A_119 = arith.cmpi slt, %add3A_118, %lt3A : i32
      %convert_element_type3A = arith.extui %lt3A_119 : i1 to i32
      %cond3A = arith.constant 0 : i32
      %cond3A_120 = arith.cmpi ne, %convert_element_type3A, %cond3A : i32
      scf.if %cond3A_120 {
        %add3A_128 = arith.constant 4 : i32
        %add3A_129 = arith.addi %scan3A_92, %add3A_128 : i32
        %dma_start3A_130 = arith.constant 0 : i32
        %dma_start3A_131 = tpu.memref_slice %arg7[%rem3A_95, %dma_start3A_130] : memref<4x128xi32, #tpu.memory_space<vmem>> -> memref<1x128xi32, #tpu.memory_space<vmem>>
        %dma_start3A_132 = tpu.memref_squeeze %dma_start3A_131 : memref<1x128xi32, #tpu.memory_space<vmem>> -> memref<128xi32, #tpu.memory_space<vmem>>
        %dma_start3A_133 = arith.constant 0 : i32
        %dma_start3A_134 = tpu.memref_slice %arg3[%add3A, %add3A_129, %dma_start3A_133] : memref<32x80x128xi32, #tpu.memory_space<hbm>> -> memref<1x1x128xi32, #tpu.memory_space<hbm>>
        %dma_start3A_135 = tpu.memref_squeeze %dma_start3A_134 : memref<1x1x128xi32, #tpu.memory_space<hbm>> -> memref<128xi32, #tpu.memory_space<hbm>>
        %dma_start3A_136 = arith.constant 0 : i32
        %dma_start3A_137 = tpu.memref_slice %arg7[%rem3A_95, %dma_start3A_136] : memref<4x128xi32, #tpu.memory_space<vmem>> -> memref<1x128xi32, #tpu.memory_space<vmem>>
        %dma_start3A_138 = tpu.memref_squeeze %dma_start3A_137 : memref<1x128xi32, #tpu.memory_space<vmem>> -> memref<128xi32, #tpu.memory_space<vmem>>
        %dma_start3A_139 = arith.constant 0 : i32
        %dma_start3A_140 = tpu.memref_slice %arg3[%add3A, %add3A_129, %dma_start3A_139] : memref<32x80x128xi32, #tpu.memory_space<hbm>> -> memref<1x1x128xi32, #tpu.memory_space<hbm>>
        %dma_start3A_141 = tpu.memref_squeeze %dma_start3A_140 : memref<1x1x128xi32, #tpu.memory_space<hbm>> -> memref<128xi32, #tpu.memory_space<hbm>>
        tpu.enqueue_dma source(%dma_start3A_141 : memref<128xi32, #tpu.memory_space<hbm>>) target(%dma_start3A_138 : memref<128xi32, #tpu.memory_space<vmem>>) target_semaphore(%arg12 : memref<!tpu.dma_semaphore, #tpu.memory_space<semaphore_mem>>)
      } else {
      }
      %add3A_121 = arith.constant 2 : i32
      %add3A_122 = arith.addi %scan3A_92, %add3A_121 : i32
      %lt3A_123 = arith.constant 80 : i32
      %lt3A_124 = arith.cmpi slt, %add3A_122, %lt3A_123 : i32
      %convert_element_type3A_125 = arith.extui %lt3A_124 : i1 to i32
      %cond3A_126 = arith.constant 0 : i32
      %cond3A_127 = arith.cmpi ne, %convert_element_type3A_125, %cond3A_126 : i32
      scf.if %cond3A_127 {
        %add3A_128 = arith.constant 2 : i32
        %add3A_129 = arith.addi %scan3A_92, %add3A_128 : i32
        %dma_start3A_130 = arith.constant 0 : i32
        %dma_start3A_131 = arith.constant 0 : i32
        %dma_start3A_132 = tpu.memref_slice %arg9[%rem3A_93, %dma_start3A_130, %dma_start3A_131] : memref<2x128x128xf32, #tpu.memory_space<vmem>> -> memref<1x128x128xf32, #tpu.memory_space<vmem>>
        %dma_start3A_133 = tpu.memref_squeeze %dma_start3A_132 : memref<1x128x128xf32, #tpu.memory_space<vmem>> -> memref<128x128xf32, #tpu.memory_space<vmem>>
        %dma_start3A_134 = arith.constant 0 : i32
        %dma_start3A_135 = tpu.memref_slice %arg8[%add3A_129, %dma_start3A_134] : memref<80x128xi32, #tpu.memory_space<vmem>> -> memref<1x128xi32, #tpu.memory_space<vmem>>
        %dma_start3A_136 = tpu.memref_squeeze %dma_start3A_135 : memref<1x128xi32, #tpu.memory_space<vmem>> -> memref<128xi32, #tpu.memory_space<vmem>>
        %dma_start3A_137 = arith.constant 0 : i32
        %dma_start3A_138 = arith.constant 0 : i32
        %dma_start3A_139 = tpu.memref_slice %arg2[%dma_start3A_137, %dma_start3A_138] : memref<10240x128xf32, #tpu.memory_space<hbm>> -> memref<10240x128xf32, #tpu.memory_space<hbm>>
        tpu.enqueue_indirect_dma source(%dma_start3A_139 : memref<10240x128xf32, #tpu.memory_space<hbm>>) target(%dma_start3A_133 : memref<128x128xf32, #tpu.memory_space<vmem>>) offsets(%dma_start3A_136 : memref<128xi32, #tpu.memory_space<vmem>>) semaphore(%arg11 : memref<!tpu.dma_semaphore, #tpu.memory_space<semaphore_mem>>)
      } else {
      }
    }
    %scan3A_86 = arith.constant 80 : i32
    %barrier3A_87 = arith.constant 0 : index
    tpu.barrier barrier_id(%barrier3A_87)
    %mul3A_88 = arith.constant 640 : i32
    %mul3A_89 = arith.muli %arg1, %mul3A_88 : i32
    %mul3A_90 = arith.constant 640 : i32
    %mul3A_91 = arith.muli %arg1, %mul3A_90 : i32
    "tpu.region"() ({
      %run_scoped3A = tpu.sem_alloc : memref<!tpu.dma_semaphore, #tpu.memory_space<semaphore_mem>>
      %dma_start3A_92 = arith.constant 0 : i32
      %dma_start3A_93 = tpu.memref_slice %arg6[%arg0, %mul3A_91, %dma_start3A_92] : memref<2x10240x128xf32, #tpu.memory_space<hbm>> -> memref<1x640x128xf32, #tpu.memory_space<hbm>>
      %dma_start3A_94 = tpu.memref_squeeze %dma_start3A_93 : memref<1x640x128xf32, #tpu.memory_space<hbm>> -> memref<640x128xf32, #tpu.memory_space<hbm>>
      %dma_start3A_95 = arith.constant 0 : i32
      %dma_start3A_96 = tpu.memref_slice %arg10[%mul3A_89, %dma_start3A_95] : memref<10240x128xf32, #tpu.memory_space<vmem_shared>> -> memref<640x128xf32, #tpu.memory_space<vmem_shared>>
      tpu.enqueue_dma source(%dma_start3A_96 : memref<640x128xf32, #tpu.memory_space<vmem_shared>>) target(%dma_start3A_94 : memref<640x128xf32, #tpu.memory_space<hbm>>) target_semaphore(%run_scoped3A : memref<!tpu.dma_semaphore, #tpu.memory_space<semaphore_mem>>)
      %dma_wait3A = arith.constant 0 : i32
      %dma_wait3A_97 = tpu.memref_slice %arg6[%arg0, %mul3A_91, %dma_wait3A] : memref<2x10240x128xf32, #tpu.memory_space<hbm>> -> memref<1x640x128xf32, #tpu.memory_space<hbm>>
      %dma_wait3A_98 = tpu.memref_squeeze %dma_wait3A_97 : memref<1x640x128xf32, #tpu.memory_space<hbm>> -> memref<640x128xf32, #tpu.memory_space<hbm>>
      %dma_wait3A_99 = arith.constant 0 : i32
      %dma_wait3A_100 = tpu.memref_slice %arg10[%mul3A_89, %dma_wait3A_99] : memref<10240x128xf32, #tpu.memory_space<vmem_shared>> -> memref<640x128xf32, #tpu.memory_space<vmem_shared>>
      tpu.wait_dma2 semaphore(%run_scoped3A : memref<!tpu.dma_semaphore, #tpu.memory_space<semaphore_mem>>) src(%dma_wait3A_100 : memref<640x128xf32, #tpu.memory_space<vmem_shared>>) dst(%dma_wait3A_98 : memref<640x128xf32, #tpu.memory_space<hbm>>)
      tpu.yield
    }) : () -> ()
    return
  }
}

module attributes {stable_mosaic.version = 14 : i64} {
  func.func @_prep_body(%arg0: i32, %arg1: memref<2x1024x1xf32, #tpu.memory_space<vmem>>, %arg2: memref<1024x128xf32, #tpu.memory_space<vmem>>, %arg3: memref<128x128xf32, #tpu.memory_space<vmem>>, %arg4: memref<1x128xf32, #tpu.memory_space<vmem>>, %arg5: memref<1024x1xf32, #tpu.memory_space<vmem>>, %arg6: memref<1024x128xf32, #tpu.memory_space<vmem>>) attributes {dimension_semantics = [#tpu.dimension_semantics<arbitrary>], iteration_bounds = array<i64: 10>, scalar_prefetch = 0 : i64, scratch_operands = 0 : i64, tpu.core_type = #tpu.core_type<tc>, window_params = [{transform_indices = @transform_0, window_bounds = array<i64: 2, 1024, 1>}, {transform_indices = @transform_1, window_bounds = array<i64: 1024, 128>}, {pipeline_mode = #tpu.pipeline_mode<synchronous>, transform_indices = @transform_2, window_bounds = array<i64: 128, 128>}, {pipeline_mode = #tpu.pipeline_mode<synchronous>, transform_indices = @transform_3, window_bounds = array<i64: 1, 128>}, {transform_indices = @transform_4, window_bounds = array<i64: 1024, 1>}, {transform_indices = @transform_5, window_bounds = array<i64: 1024, 128>}]} {
    %get3A = arith.constant 0 : index
    %get3A_0 = arith.constant 0 : index
    %get3A_1 = arith.constant 0 : index
    %get3A_2 = vector.load %arg1[%get3A, %get3A_0, %get3A_1] : memref<2x1024x1xf32, #tpu.memory_space<vmem>>, vector<2x1024x1xf32>
    %slice3A = vector.extract_strided_slice %get3A_2 {offsets = [0, 0, 0], sizes = [1, 1024, 1], strides = [1, 1, 1]} : vector<2x1024x1xf32> to vector<1x1024x1xf32>
    %squeeze3A = vector.shape_cast %slice3A : vector<1x1024x1xf32> to vector<1024x1xf32>
    %slice3A_3 = vector.extract_strided_slice %get3A_2 {offsets = [1, 0, 0], sizes = [1, 1024, 1], strides = [1, 1, 1]} : vector<2x1024x1xf32> to vector<1x1024x1xf32>
    %squeeze3A_4 = vector.shape_cast %slice3A_3 : vector<1x1024x1xf32> to vector<1024x1xf32>
    %add3A = arith.addf %squeeze3A, %squeeze3A_4 : vector<1024x1xf32>
    %add3A_5 = arith.constant 1.000000e+00 : f32
    %add3A_6 = vector.broadcast %add3A_5 : f32 to vector<1024x1xf32>
    %add3A_7 = arith.addf %add3A, %add3A_6 : vector<1024x1xf32>
    %rsqrt3A = math.rsqrt %add3A_7 : vector<1024x1xf32>
    %get3A_8 = arith.constant 0 : index
    %get3A_9 = arith.constant 0 : index
    %get3A_10 = vector.load %arg2[%get3A_8, %get3A_9] : memref<1024x128xf32, #tpu.memory_space<vmem>>, vector<1024x128xf32>
    %get3A_11 = arith.constant 0 : index
    %get3A_12 = arith.constant 0 : index
    %get3A_13 = vector.load %arg3[%get3A_11, %get3A_12] : memref<128x128xf32, #tpu.memory_space<vmem>>, vector<128x128xf32>
    %dot_general3A = arith.constant dense<0.000000e+00> : vector<1024x128xf32>
    %dot_general3A_14 = tpu.matmul %get3A_10, %get3A_13, %dot_general3A {dimension_numbers = #tpu.dot_dimension_numbers<[1], [1], [0], [0], [0, 0, 1, 0], [], []>, transpose_lhs_hint = false} : vector<1024x128xf32>, vector<128x128xf32>, vector<1024x128xf32> -> vector<1024x128xf32>
    %get3A_15 = arith.constant 0 : index
    %get3A_16 = arith.constant 0 : index
    %get3A_17 = vector.load %arg4[%get3A_15, %get3A_16] : memref<1x128xf32, #tpu.memory_space<vmem>>, vector<1x128xf32>
    %add3A_18 = vector.broadcast %get3A_17 : vector<1x128xf32> to vector<1024x128xf32>
    %add3A_19 = arith.addf %dot_general3A_14, %add3A_18 : vector<1024x128xf32>
    %swap3A = arith.constant 0 : index
    %swap3A_20 = arith.constant 0 : index
    %swap3A_21 = vector.load %arg5[%swap3A, %swap3A_20] : memref<1024x1xf32, #tpu.memory_space<vmem>>, vector<1024x1xf32>
    tpu.vector_store %arg5[%swap3A, %swap3A_20], %rsqrt3A {strides = array<i32>} : memref<1024x1xf32, #tpu.memory_space<vmem>>, vector<1024x1xf32>,
    %mul3A = vector.broadcast %rsqrt3A : vector<1024x1xf32> to vector<1024x128xf32>
    %mul3A_22 = arith.mulf %mul3A, %add3A_19 : vector<1024x128xf32>
    %swap3A_23 = arith.constant 0 : index
    %swap3A_24 = arith.constant 0 : index
    %swap3A_25 = vector.load %arg6[%swap3A_23, %swap3A_24] : memref<1024x128xf32, #tpu.memory_space<vmem>>, vector<1024x128xf32>
    tpu.vector_store %arg6[%swap3A_23, %swap3A_24], %mul3A_22 {strides = array<i32>} : memref<1024x128xf32, #tpu.memory_space<vmem>>, vector<1024x128xf32>,
    return
  }
  func.func @transform_0(%arg0: i32) -> (i32, i32, i32) {
    %c0_i32 = arith.constant 0 : i32
    %c0_i32_0 = arith.constant 0 : i32
    %c0_i32_1 = arith.constant 0 : i32
    return %c0_i32, %arg0, %c0_i32_0 : i32, i32, i32
  }
  func.func @transform_1(%arg0: i32) -> (i32, i32) {
    %c0_i32 = arith.constant 0 : i32
    %c0_i32_0 = arith.constant 0 : i32
    return %arg0, %c0_i32 : i32, i32
  }
  func.func @transform_2(%arg0: i32) -> (i32, i32) {
    %c0_i32 = arith.constant 0 : i32
    %c0_i32_0 = arith.constant 0 : i32
    %c0_i32_1 = arith.constant 0 : i32
    return %c0_i32, %c0_i32_0 : i32, i32
  }
  func.func @transform_3(%arg0: i32) -> (i32, i32) {
    %c0_i32 = arith.constant 0 : i32
    %c0_i32_0 = arith.constant 0 : i32
    %c0_i32_1 = arith.constant 0 : i32
    return %c0_i32, %c0_i32_0 : i32, i32
  }
  func.func @transform_4(%arg0: i32) -> (i32, i32) {
    %c0_i32 = arith.constant 0 : i32
    %c0_i32_0 = arith.constant 0 : i32
    return %arg0, %c0_i32 : i32, i32
  }
  func.func @transform_5(%arg0: i32) -> (i32, i32) {
    %c0_i32 = arith.constant 0 : i32
    %c0_i32_0 = arith.constant 0 : i32
    return %arg0, %c0_i32 : i32, i32
  }
}

module attributes {stable_mosaic.version = 14 : i64} {
  func.func @_mid_body(%arg0: i32, %arg1: memref<2x1024x128xf32, #tpu.memory_space<vmem>>, %arg2: memref<1024x128xf32, #tpu.memory_space<vmem>>, %arg3: memref<1024x1xf32, #tpu.memory_space<vmem>>, %arg4: memref<128x128xf32, #tpu.memory_space<vmem>>, %arg5: memref<1x128xf32, #tpu.memory_space<vmem>>, %arg6: memref<1024x128xf32, #tpu.memory_space<vmem>>) attributes {dimension_semantics = [#tpu.dimension_semantics<arbitrary>], iteration_bounds = array<i64: 10>, scalar_prefetch = 0 : i64, scratch_operands = 0 : i64, tpu.core_type = #tpu.core_type<tc>, window_params = [{transform_indices = @transform_0, window_bounds = array<i64: 2, 1024, 128>}, {transform_indices = @transform_1, window_bounds = array<i64: 1024, 128>}, {transform_indices = @transform_2, window_bounds = array<i64: 1024, 1>}, {pipeline_mode = #tpu.pipeline_mode<synchronous>, transform_indices = @transform_3, window_bounds = array<i64: 128, 128>}, {pipeline_mode = #tpu.pipeline_mode<synchronous>, transform_indices = @transform_4, window_bounds = array<i64: 1, 128>}, {transform_indices = @transform_5, window_bounds = array<i64: 1024, 128>}]} {
    %get3A = arith.constant 0 : index
    %get3A_0 = arith.constant 0 : index
    %get3A_1 = arith.constant 0 : index
    %get3A_2 = vector.load %arg1[%get3A, %get3A_0, %get3A_1] : memref<2x1024x128xf32, #tpu.memory_space<vmem>>, vector<2x1024x128xf32>
    %slice3A = vector.extract_strided_slice %get3A_2 {offsets = [0, 0, 0], sizes = [1, 1024, 128], strides = [1, 1, 1]} : vector<2x1024x128xf32> to vector<1x1024x128xf32>
    %squeeze3A = vector.shape_cast %slice3A : vector<1x1024x128xf32> to vector<1024x128xf32>
    %slice3A_3 = vector.extract_strided_slice %get3A_2 {offsets = [1, 0, 0], sizes = [1, 1024, 128], strides = [1, 1, 1]} : vector<2x1024x128xf32> to vector<1x1024x128xf32>
    %squeeze3A_4 = vector.shape_cast %slice3A_3 : vector<1x1024x128xf32> to vector<1024x128xf32>
    %add3A = arith.addf %squeeze3A, %squeeze3A_4 : vector<1024x128xf32>
    %get3A_5 = arith.constant 0 : index
    %get3A_6 = arith.constant 0 : index
    %get3A_7 = vector.load %arg2[%get3A_5, %get3A_6] : memref<1024x128xf32, #tpu.memory_space<vmem>>, vector<1024x128xf32>
    %add3A_8 = arith.addf %add3A, %get3A_7 : vector<1024x128xf32>
    %get3A_9 = arith.constant 0 : index
    %get3A_10 = arith.constant 0 : index
    %get3A_11 = vector.load %arg3[%get3A_9, %get3A_10] : memref<1024x1xf32, #tpu.memory_space<vmem>>, vector<1024x1xf32>
    %mul3A = vector.broadcast %get3A_11 : vector<1024x1xf32> to vector<1024x128xf32>
    %mul3A_12 = arith.mulf %mul3A, %add3A_8 : vector<1024x128xf32>
    %max3A = arith.constant 0.000000e+00 : f32
    %max3A_13 = vector.broadcast %max3A : f32 to vector<1024x128xf32>
    %max3A_14 = arith.maximumf %mul3A_12, %max3A_13 : vector<1024x128xf32>
    %get3A_15 = arith.constant 0 : index
    %get3A_16 = arith.constant 0 : index
    %get3A_17 = vector.load %arg4[%get3A_15, %get3A_16] : memref<128x128xf32, #tpu.memory_space<vmem>>, vector<128x128xf32>
    %dot_general3A = arith.constant dense<0.000000e+00> : vector<1024x128xf32>
    %dot_general3A_18 = tpu.matmul %max3A_14, %get3A_17, %dot_general3A {dimension_numbers = #tpu.dot_dimension_numbers<[1], [1], [0], [0], [0, 0, 1, 0], [], []>, transpose_lhs_hint = false} : vector<1024x128xf32>, vector<128x128xf32>, vector<1024x128xf32> -> vector<1024x128xf32>
    %get3A_19 = arith.constant 0 : index
    %get3A_20 = arith.constant 0 : index
    %get3A_21 = vector.load %arg5[%get3A_19, %get3A_20] : memref<1x128xf32, #tpu.memory_space<vmem>>, vector<1x128xf32>
    %add3A_22 = vector.broadcast %get3A_21 : vector<1x128xf32> to vector<1024x128xf32>
    %add3A_23 = arith.addf %dot_general3A_18, %add3A_22 : vector<1024x128xf32>
    %mul3A_24 = vector.broadcast %get3A_11 : vector<1024x1xf32> to vector<1024x128xf32>
    %mul3A_25 = arith.mulf %mul3A_24, %add3A_23 : vector<1024x128xf32>
    %swap3A = arith.constant 0 : index
    %swap3A_26 = arith.constant 0 : index
    %swap3A_27 = vector.load %arg6[%swap3A, %swap3A_26] : memref<1024x128xf32, #tpu.memory_space<vmem>>, vector<1024x128xf32>
    tpu.vector_store %arg6[%swap3A, %swap3A_26], %mul3A_25 {strides = array<i32>} : memref<1024x128xf32, #tpu.memory_space<vmem>>, vector<1024x128xf32>,
    return
  }
  func.func @transform_0(%arg0: i32) -> (i32, i32, i32) {
    %c0_i32 = arith.constant 0 : i32
    %c0_i32_0 = arith.constant 0 : i32
    %c0_i32_1 = arith.constant 0 : i32
    return %c0_i32, %arg0, %c0_i32_0 : i32, i32, i32
  }
  func.func @transform_1(%arg0: i32) -> (i32, i32) {
    %c0_i32 = arith.constant 0 : i32
    %c0_i32_0 = arith.constant 0 : i32
    return %arg0, %c0_i32 : i32, i32
  }
  func.func @transform_2(%arg0: i32) -> (i32, i32) {
    %c0_i32 = arith.constant 0 : i32
    %c0_i32_0 = arith.constant 0 : i32
    return %arg0, %c0_i32 : i32, i32
  }
  func.func @transform_3(%arg0: i32) -> (i32, i32) {
    %c0_i32 = arith.constant 0 : i32
    %c0_i32_0 = arith.constant 0 : i32
    %c0_i32_1 = arith.constant 0 : i32
    return %c0_i32, %c0_i32_0 : i32, i32
  }
  func.func @transform_4(%arg0: i32) -> (i32, i32) {
    %c0_i32 = arith.constant 0 : i32
    %c0_i32_0 = arith.constant 0 : i32
    %c0_i32_1 = arith.constant 0 : i32
    return %c0_i32, %c0_i32_0 : i32, i32
  }
  func.func @transform_5(%arg0: i32) -> (i32, i32) {
    %c0_i32 = arith.constant 0 : i32
    %c0_i32_0 = arith.constant 0 : i32
    return %arg0, %c0_i32 : i32, i32
  }
}

module attributes {stable_mosaic.version = 14 : i64} {
  func.func @_fin_body(%arg0: i32, %arg1: memref<2x1024x128xf32, #tpu.memory_space<vmem>>, %arg2: memref<1024x128xf32, #tpu.memory_space<vmem>>, %arg3: memref<1024x1xf32, #tpu.memory_space<vmem>>, %arg4: memref<1024x128xf32, #tpu.memory_space<vmem>>) attributes {dimension_semantics = [#tpu.dimension_semantics<arbitrary>], iteration_bounds = array<i64: 10>, scalar_prefetch = 0 : i64, scratch_operands = 0 : i64, tpu.core_type = #tpu.core_type<tc>, window_params = [{transform_indices = @transform_0, window_bounds = array<i64: 2, 1024, 128>}, {transform_indices = @transform_1, window_bounds = array<i64: 1024, 128>}, {transform_indices = @transform_2, window_bounds = array<i64: 1024, 1>}, {transform_indices = @transform_3, window_bounds = array<i64: 1024, 128>}]} {
    %get3A = arith.constant 0 : index
    %get3A_0 = arith.constant 0 : index
    %get3A_1 = arith.constant 0 : index
    %get3A_2 = vector.load %arg1[%get3A, %get3A_0, %get3A_1] : memref<2x1024x128xf32, #tpu.memory_space<vmem>>, vector<2x1024x128xf32>
    %get3A_3 = arith.constant 0 : index
    %get3A_4 = arith.constant 0 : index
    %get3A_5 = vector.load %arg3[%get3A_3, %get3A_4] : memref<1024x1xf32, #tpu.memory_space<vmem>>, vector<1024x1xf32>
    %slice3A = vector.extract_strided_slice %get3A_2 {offsets = [0, 0, 0], sizes = [1, 1024, 128], strides = [1, 1, 1]} : vector<2x1024x128xf32> to vector<1x1024x128xf32>
    %squeeze3A = vector.shape_cast %slice3A : vector<1x1024x128xf32> to vector<1024x128xf32>
    %slice3A_6 = vector.extract_strided_slice %get3A_2 {offsets = [1, 0, 0], sizes = [1, 1024, 128], strides = [1, 1, 1]} : vector<2x1024x128xf32> to vector<1x1024x128xf32>
    %squeeze3A_7 = vector.shape_cast %slice3A_6 : vector<1x1024x128xf32> to vector<1024x128xf32>
    %add3A = arith.addf %squeeze3A, %squeeze3A_7 : vector<1024x128xf32>
    %get3A_8 = arith.constant 0 : index
    %get3A_9 = arith.constant 0 : index
    %get3A_10 = vector.load %arg2[%get3A_8, %get3A_9] : memref<1024x128xf32, #tpu.memory_space<vmem>>, vector<1024x128xf32>
    %add3A_11 = arith.addf %add3A, %get3A_10 : vector<1024x128xf32>
    %mul3A = vector.broadcast %get3A_5 : vector<1024x1xf32> to vector<1024x128xf32>
    %mul3A_12 = arith.mulf %mul3A, %add3A_11 : vector<1024x128xf32>
    %swap3A = arith.constant 0 : index
    %swap3A_13 = arith.constant 0 : index
    %swap3A_14 = vector.load %arg4[%swap3A, %swap3A_13] : memref<1024x128xf32, #tpu.memory_space<vmem>>, vector<1024x128xf32>
    tpu.vector_store %arg4[%swap3A, %swap3A_13], %mul3A_12 {strides = array<i32>} : memref<1024x128xf32, #tpu.memory_space<vmem>>, vector<1024x128xf32>,
    return
  }
  func.func @transform_0(%arg0: i32) -> (i32, i32, i32) {
    %c0_i32 = arith.constant 0 : i32
    %c0_i32_0 = arith.constant 0 : i32
    %c0_i32_1 = arith.constant 0 : i32
    return %c0_i32, %arg0, %c0_i32_0 : i32, i32, i32
  }
  func.func @transform_1(%arg0: i32) -> (i32, i32) {
    %c0_i32 = arith.constant 0 : i32
    %c0_i32_0 = arith.constant 0 : i32
    return %arg0, %c0_i32 : i32, i32
  }
  func.func @transform_2(%arg0: i32) -> (i32, i32) {
    %c0_i32 = arith.constant 0 : i32
    %c0_i32_0 = arith.constant 0 : i32
    return %arg0, %c0_i32 : i32, i32
  }
  func.func @transform_3(%arg0: i32) -> (i32, i32) {
    %c0_i32 = arith.constant 0 : i32
    %c0_i32_0 = arith.constant 0 : i32
    return %arg0, %c0_i32 : i32, i32
  }
}

</mosaic_0001>

<sc_bundles>
// kernel: _run.11.cloned.1.call-start
scs
__scs_entry_jumppad:
0x0: {  	(pc) =	sbr.rel $0x88, $3  }
0x1: {  	(tag) =	ssettag $0x0;
	lr =	simm.s32 $0x1  }
0x2: {  	[smem:$0x3F9B] =	sst lr;
	_ =	strace $0xD0000000  }
0x3: {  	_ = 	snop  }
0x4: {  	_ = 	snop  }
0x5: {  	_ = 	snop  }
0x6: {  	_ = 	snop  }
0x7: {  	_ = 	snop  }
__scs_overlays_trampoline_lowered:
0x8: {  	[smem:$0x3FAA] =	sst s0  }
0x9: {  	[smem:$0x3FAB] =	sst s1  }
0xa: {  	[smem:$0x3FAC] =	sst s2  }
0xb: {  	[smem:$0x3FAD] =	sst s3  }
0xc: {  	[smem:$0x3FAE] =	sst s4  }
0xd: {  	[smem:$0x3FAF] =	sst s5  }
0xe: {  	[smem:$0x3FB0] =	sst s6  }
0xf: {  	[smem:$0x3FB1] =	sst s7  }
0x10: {  	[smem:$0x3FB2] =	sst s8  }
0x11: {  	[smem:$0x3FB3] =	sst s9;
	s0 =	simm.s32 @!p0 $0x0  }
0x12: {  	s1 =	sld [smem:$0x3F99];
	s0 =	simm.s32 @p0 $0x1  }
0x13: {  	[smem:$0x3FB4] =	sst s0;
	s0 =	simm.s32 @!p1 $0x0  }
0x14: {  	s2 =	sld [smem:$0x3F98];
	s0 =	simm.s32 @p1 $0x1  }
0x15: {  	[smem:$0x3FB5] =	sst s0;
	s0 =	simm.s32 @!p2 $0x0  }
0x16: {  	s3 =	sld [smem:$0x3FDB];
	s0 =	simm.s32 @p2 $0x1  }
0x17: {  	s4 =	simm.s32 $0x1BF5;
	[smem:$0x3FB7] =	sst s0  }
0x18: {  	s0 =	sld [smem:$0x3F9A];
	_ =	swait.ge [sflag:s4], $0x0  }
0x19: {  	s7 =	sld [smem:$0x3F9B]  }
0x1a: {  	s8 =	sadd.s32 $0xFFFFE003, lr  }
0x1b: {  	s9 =	sadd.s32 $0xFFFFFEF7, lr;
	s5 =	simm.s32 $0xFFFFFFFF;
	p2 =	slt.u32 s8, $0xFFFFF086  }
0x1c: {  	p1 =	slt.u32 s9, $0xF7A;
	s5 =	simm.s32 @!p2 $0x0  }
0x1d: {  	s5 =	simm.s32 @p1 $0x1;
	p0 =	seq.s32 s7, s2  }
0x1e: {  	s7 =	smul.u32 @!p0 $0xF7A, s2;
	p2 =	seq.s32 @!p0 s5, $0x0  }
0x1f: {  	s9 =	smul.u32 $0xF7A, s1;
	s8 =	simm.s32 @!p0 $0x1BF5;
	p2 =	por !p2, p0  }
0x20: {  	[sflag:s8] =	ssyncset.s32 @!p0 $0xFFFFF086;
	s6 =	sadd.s32 @!p0 s3, s7;
	s7 =	simm.s32 @!p0 $0x108  }
0x21: {  	s3 =	sadd.s32 s3, s9;
	s6 =	sadd.s32 @!p0 $0x88, s6;
	s7 =	simm.s32 @p2 $0x1082  }
0x22: {  	[simem:s7], [sflag:s8] =	dma.local @!p0 [hbm:s6], $0xF7A  }
0x23: {  	s9 =	sor.u32 $0xD0000000, s2;
	s6 =	simm.s32 $0x108;
	_ =	swait.ge @!p0 [sflag:s8], $0x0  }
0x24: {  	s3 =	sadd.s32 $0x88, s3;
	s6 =	simm.s32 @!p1 $0x1082;
	[sflag:s4] =	ssyncset.s32 $0xFFFFF086  }
0x25: {  	[simem:s6], [sflag:s4] =	dma.local [hbm:s3], $0xF7A  }
0x26: {  	[smem:$0x3F9B] =	sst s1;
	(tag) =	ssettag s2;
	_ =	strace s9  }
0x27: {  	s1 =	sld [smem:$0x3FAB]  }
0x28: {  	s2 =	sld [smem:$0x3FAC]  }
0x29: {  	s4 =	sld [smem:$0x3FAE]  }
0x2a: {  	p0 =	seq.s32 s5, $0x0;
	s5 =	sld [smem:$0x3FAF]  }
0x2b: {  	s6 =	sld [smem:$0x3FB0]  }
0x2c: {  	s7 =	sld [smem:$0x3FB1]  }
0x2d: {  	s3 =	simm.s32 $0x108;
	s8 =	sld [smem:$0x3FB2]  }
0x2e: {  	s3 =	simm.s32 @!p0 $0x1082;
	s9 =	sld [smem:$0x3FB3]  }
0x2f: {  	lr =	sadd.s32 s0, s3;
	s0 =	sld [smem:$0x3FAA]  }
0x30: {  	s3 =	sld [smem:$0x3FAD]  }
0x31: {  	[smem:$0x3FB6] =	sst s10  }
0x32: {  	s10 =	sld [smem:$0x3FB4];
	_ =	sdelay $0x3  }
0x33: {  	p0 =	seq.s32 s10, $0x1;
	s10 =	sld [smem:$0x3FB6];
	_ =	sdelay $0x3  }
0x34: {  	[smem:$0x3FB6] =	sst s10  }
0x35: {  	s10 =	sld [smem:$0x3FB5];
	_ =	sdelay $0x3  }
0x36: {  	p1 =	seq.s32 s10, $0x1;
	s10 =	sld [smem:$0x3FB6];
	_ =	sdelay $0x3  }
0x37: {  	[smem:$0x3FB6] =	sst s10  }
0x38: {  	s10 =	sld [smem:$0x3FB7]  }
0x39: {  	_ = 	snop;
	(pc) =	sbr.ind lr, $3  }
0x3a: {  	_ = 	snop  }
0x3b: {  	_ = 	snop  }
0x3c: {  	p2 =	seq.s32 s10, $0x1;
	s10 =	sld [smem:$0x3FB6]  }
0x3d: {  	_ =	shalt  }
0x3e: {  	_ =	shalt  }
0x3f: {  	_ =	shalt  }
0x40: {  	_ =	shalt  }
0x41: {  	_ =	shalt  }
0x42: {  	_ =	shalt  }
0x43: {  	_ =	shalt  }
0x44: {  	_ =	shalt  }
0x45: {  	_ =	shalt  }
0x46: {  	_ =	shalt  }
0x47: {  	_ =	shalt  }
0x48: {  	_ =	shalt  }
0x49: {  	_ =	shalt  }
0x4a: {  	_ =	shalt  }
0x4b: {  	_ =	shalt  }
0x4c: {  	_ =	shalt  }
0x4d: {  	_ =	shalt  }
0x4e: {  	_ =	shalt  }
0x4f: {  	_ =	shalt  }
0x50: {  	_ =	shalt  }
0x51: {  	_ =	shalt  }
0x52: {  	_ =	shalt  }
0x53: {  	_ =	shalt  }
0x54: {  	_ =	shalt  }
0x55: {  	_ =	shalt  }
0x56: {  	_ =	shalt  }
0x57: {  	_ =	shalt  }
0x58: {  	_ =	shalt  }
0x59: {  	_ =	shalt  }
0x5a: {  	_ =	shalt  }
0x5b: {  	_ =	shalt  }
0x5c: {  	_ =	shalt  }
0x5d: {  	_ =	shalt  }
0x5e: {  	_ =	shalt  }
0x5f: {  	_ =	shalt  }
0x60: {  	_ =	shalt  }
0x61: {  	_ =	shalt  }
0x62: {  	_ =	shalt  }
0x63: {  	_ =	shalt  }
0x64: {  	_ =	shalt  }
0x65: {  	_ =	shalt  }
0x66: {  	_ =	shalt  }
0x67: {  	_ =	shalt  }
0x68: {  	_ =	shalt  }
0x69: {  	_ =	shalt  }
0x6a: {  	_ =	shalt  }
0x6b: {  	_ =	shalt  }
0x6c: {  	_ =	shalt  }
0x6d: {  	_ =	shalt  }
0x6e: {  	_ =	shalt  }
0x6f: {  	_ =	shalt  }
0x70: {  	_ =	shalt  }
0x71: {  	_ =	shalt  }
0x72: {  	_ =	shalt  }
0x73: {  	_ =	shalt  }
0x74: {  	_ =	shalt  }
0x75: {  	_ =	shalt  }
0x76: {  	_ =	shalt  }
0x77: {  	_ =	shalt  }
0x78: {  	_ =	shalt  }
0x79: {  	_ =	shalt  }
0x7a: {  	_ =	shalt  }
0x7b: {  	_ =	shalt  }
0x7c: {  	_ =	shalt  }
0x7d: {  	_ =	shalt  }
0x7e: {  	_ =	shalt  }
0x7f: {  	_ =	shalt  }
0x80: {  	_ =	shalt  }
0x81: {  	_ =	shalt  }
0x82: {  	_ =	shalt  }
0x83: {  	_ =	shalt  }
0x84: {  	_ =	shalt  }
0x85: {  	_ =	shalt  }
0x86: {  	_ =	shalt  }
0x87: {  	_ =	shalt  }
.Lfunc_end0:
.L_simem_size_0:
called_computation.1_lowered:
.L_overlay_start_0:
0x88: {  	s2 =	sld [smem:$0x3FD9]  }
0x89: {  	s3 =	sld [smem:$0x3FFE];
	_ =	sdelay $0x1  }
0x8a: {  	s1 =	srdreg.scid  }
0x8b: {  	s0 =	sand.u32 $0x1, s1  }
0x8c: {  	s17 =	sshll.u32 s0, $0xA;
	s2 =	sadd.s32 s3, s2  }
0x8d: {  	s2 =	sadd.s32 s2, s17  }
0x8e: {  	[smem:$0x3FC2] =	sst s2  }
0x8f: {  	_ = 	snop  }
0x90: {  	s2 =	sld [smem:$0x3FD0];
	(tm) =	ssettm $0x1  }
0x91: {  	s18 =	sld [smem:$0x3FFB];
	_ =	sdelay $0x3  }
0x92: {  	_ =	strace s18  }
0x93: {  	s3 =	sld [smem:$0x3FFC];
	_ =	sdelay $0x3  }
0x94: {  	_ =	strace s3  }
0x95: {  	s3 =	sld [smem:$0x3FFD];
	_ =	sdelay $0x3  }
0x96: {  	_ =	strace s3  }
0x97: {  	_ =	strace $0x8FFFFFFF  }
0x98: {  	s19 =	sld [smem:$0x3FDB];
	_ =	sdelay $0x1  }
0x99: {  	s4 =	simm.s32 $_scs_section_size  }
0x9a: {  	s5 =	simm.s32 $_size__tile_overlayer_lowered;
	s6 =	simm.s32 $_tile_overlayer_lowered  }
0x9b: {  	s22 =	simm.s32 $0x1BFF;
	s21 =	sshll.u32 s6, $0x1;
	s3 =	sadd.s32 s4, s19  }
0x9c: {  	s7 =	simm.s32 $0x0;
	s20 =	sshll.u32 s5, $0x1;
	s5 =	sadd.s32 s21, s3  }
0x9d: {  	[timem:s7], [sflag:s22] =	dma.local [hbm:s5], s20  }
0x9e: {  	_ =	swait.ge [sflag:s22], s20  }
0x9f: {  	s4 =	ssub.s32 $0x0, s20;
	[sflag:s22] =	ssyncset.done $0x0  }
0xa0: {  	[sflag:s22] =	ssyncadd.s32 s4;
	_ =	sdelay $0x1  }
0xa1: {  	s23 =	simm.s32 $0x1B8B  }
0xa2: {  	_ =	swait.ge [sflag:s23], $0x1  }
0xa3: {  	[sflag:s23] =	ssyncset.done $0x0  }
0xa4: {  	s25 =	simm.s32 $0x1B8E;
	s24 =	sld [smem:$0x3FFE];
	[sflag:s23] =	ssyncadd.s32 $0xFFFFFFFF  }
0xa5: {  	s26 =	simm.s32 $execute0_lowered;
	[smem:$0x3FD2] =	sst s25  }
0xa6: {  	s5 =	sshll.u32 s26, $0x1;
	_ =	strace $0x80000049;
	[dreg:$0x1] =	wrdreg $0xFFFFFFFF  }
0xa7: {  	s28 =	simm.s32 $_size_execute0_lowered;
	s3 =	sadd.s32 s3, s5;
	[dreg:$0x0] =	wrdreg $0x0  }
0xa8: {  	s5 =	sshll.u32 s28, $0x1;
	[dreg:$0x2] =	wrdreg s3  }
0xa9: {  	[dreg:$0x3] =	wrdreg s5  }
0xaa: {  	[dreg:$0x4] =	wrdreg $0xC0  }
0xab: {  	_ =	task [dreg:s7], $0x5FFFF  }
0xac: {  	[dreg:$0x1] =	wrdreg $0xFFFFFFFF  }
0xad: {  	[dreg:$0x0] =	wrdreg $0x60  }
0xae: {  	[dreg:$0x2] =	wrdreg s24  }
0xaf: {  	[dreg:$0x3] =	wrdreg s2  }
0xb0: {  	[dreg:$0x4] =	wrdreg $0xAA000  }
0xb1: {  	[dreg:$0x5] =	wrdreg $0x9  }
0xb2: {  	_ =	task.clear_ibuf [dreg:s7], $0x6FFFF;
	_ =	strace $0x90000049  }
0xb3: {  	s29 =	simm.s32 $0x9;
	_ =	strace $0x8000004B  }
0xb4: {  	_ =	swait.ge [sflag:s29], $0x1  }
0xb5: {  	[sflag:s29] =	ssyncadd.s32 $0xFFFFFFFF  }
0xb6: {  	_ =	strace $0x9000004B  }
0xb7: {  	_ =	sfence  }
0xb8: {  	s30 =	sld [smem:$0x0];
	_ =	sdelay $0x2  }
0xb9: {  	s31 =	sshll.u32 s1, $0xD;
	s1 =	sshrl.u32 s1, $0x2  }
0xba: {  	s3 =	sand.u32 $0x4000, s31;
	s1 =	sadd.s32 s1, s30  }
0xbb: {  	s0 =	sor.u32 s3, s0;
	s1 =	sshll.u32 s1, $0x11  }
0xbc: {  	s0 =	sor.u32 s1, s0  }
0xbd: {  	s0 =	sadd.s32 $0x8F2B, s0  }
0xbe: {  	[sflag:s0] =	ssyncadd.remote.s32 $0x1  }
0xbf: {  	_ =	sfence.sel $0xFFFF  }
0xc0: {  	[dreg:$0x0] =	wrdreg $0xFFFFFFFF;
	(pc) =	sbr.abs _section_cstart, $3  }
0xc1: {  	[dreg:$0x1] =	wrdreg $0xFFFFFFFF  }
0xc2: {  	_ =	task.clear_ibuf [dreg:s7], $0x2FFFF;
	_ =	strace $0x9FFFFFFF  }
0xc3: {  	(tm) =	ssettm $0x7FFFFFFF  }
tec
execute0_lowered:
.L_overlay_start_1:
0x0: {  	(tag) =	ssettag $0x1  }
0x1: {  	s0 =	srdreg.scid;
	s1 =	rddreg [dreg:$0x0]  }
0x2: {  	s13 =	stileid.u32;
	s2 =	rddreg [dreg:$0x1]  }
0x3: {  	s5 =	simm.s32 $0x0;
	s17 =	simm.s32 $0x3;
	s18 =	simm.s32 $0x80  }
0x4: {  	s21 =	simm.s32 $0x2A00;
	s22 =	simm.s32 $0x280;
	s23 =	simm.s32 $0x6A00  }
0x5: {  	s24 =	simm.s32 $0x1;
	s25 =	simm.s32 $0x2;
	s26 =	simm.s32 $0x0  }
0x6: {  	s0 =	sand.u32 $0x1, s0;
	[smem:$0x7FF] =	sst s5;
	s9 =	smul.u32 $0x14000, s13  }
0x7: {  	s6 =	sadd.s32 $0xC600, s1;
	s11 =	smul.u32 $0x50000, s13;
	s31 =	sshll.u32 s13, $0x6  }
0x8: {  	s3 =	sshll.u32 s0, $0x4;
	s7 =	smul.u32 $0x140000, s0;
	s0 =	ssub.s32 $0x2, s0  }
0x9: {  	s4 =	sor.u32 s13, s3;
	s3 =	rddreg [dreg:$0x2];
	_ =	strace $0x8000004A  }
0xa: {  	s12 =	sshrl.u32 s0, $0x1;
	s30 =	sshrl.u32 s11, $0x2;
	s4 =	smul.u32 $0x2800, s4  }
0xb: {  	s9 =	sadd.s32 s9, s7;
	s7 =	sadd.s32 $0x34600, s1;
	s0 =	ssub.s32 s0, s12  }
.Ltmp0:
0xc: {  	s16 =	sadd.s32 s30, s3;
	s9 =	sshrl.u32 s9, $0x3;
	(pc) =	sbr.rel .LBB2_1-.Ltmp0, $4  }
0xd: {  	s15 =	smax.u32 s0, $0x1;
	s16 =	sshrl.u32 s16, $0x3;
	s8 =	sshrl.u32 s4, $0x3  }
0xe: {  	s10 =	sadd.s32 s8, s1;
	s1 =	sadd.s32 s9, s1;
	s8 =	sadd.s32 s2, s8  }
0xf: {  	s9 =	sor.u32 $0x1C03, s31;
	s10 =	sadd.s32 $0x2600, s10;
	s11 =	sadd.s32 $0x10, s8  }
0x10: {  	s12 =	sadd.s32 $0x20, s8;
	s13 =	sadd.s32 $0x30, s8;
	s14 =	sadd.s32 $0x36E00, s1  }
.LBB2_7:
0x11: {  	s26 =	sadd.s32 $0x1, s26  }
0x12: {  	p0 =	sne.s32 s26, s15  }
.Ltmp1:
0x13: {  	[bflag:$0x0] =	sbarrier.arrive $0xFFFF;
	(pc) =	sbr.rel @!p0 .LBB2_8-.Ltmp1, $4  }
0x14: {  	[hbm:s14], [sflag:s9] =	dma.local [spmem:s16], $0x2800  }
0x15: {  	_ =	swait.ge [sflag:s17], $0x2800  }
0x16: {  	[sflag:s17] =	ssyncset.done $0x0  }
0x17: {  	[sflag:s17] =	ssyncadd.s32 $0xFFFFD800  }
.LBB2_1:
0x18: {  	[spmem:s16], [sflag:s9] =	dma.local [hbm:s7], $0x2800  }
0x19: {  	_ =	swait.ge [sflag:s17], $0x2800  }
0x1a: {  	[sflag:s17] =	ssyncset.done $0x0  }
0x1b: {  	s28 =	simm.s32 $0x200;
	[sflag:s17] =	ssyncadd.s32 $0xFFFFD800  }
0x1c: {  	[tilespmem:s28], [sflag:$0x3] =	stream.linear.gather [hbm4b:s10+s5], $0x2800, $0x38;
	[tilespmem:$0x1EA00] =	vst v63  }
0x1d: {  	_ =	swait.ge [sflag:s17], $0x2800  }
0x1e: {  	[sflag:s17] =	ssyncset.done $0x0  }
0x1f: {  	[sflag:s17] =	ssyncadd.s32 $0xFFFFD800  }
0x20: {  	[tilespmem:s5], [sflag:$0x2] =	stream.linear.gather [hbm4b:s8+s5], $0x80, $0x38;
	[tilespmem:$0x1EA00] =	vst v63  }
0x21: {  	_ = 	snop  }
0x22: {  	[tilespmem:s18], [sflag:$0x2] =	stream.linear.gather [hbm4b:s11+s5], $0x80, $0x38;
	[tilespmem:$0x1EA00] =	vst v63  }
0x23: {  	s0 =	simm.s32 $0x100  }
0x24: {  	[tilespmem:s0], [sflag:$0x2] =	stream.linear.gather [hbm4b:s12+s5], $0x80, $0x38;
	[tilespmem:$0x1EA00] =	vst v63  }
0x25: {  	s20 =	simm.s32 $0x180  }
0x26: {  	[tilespmem:s20], [sflag:$0x2] =	stream.linear.gather [hbm4b:s13+s5], $0x80, $0x38;
	[tilespmem:$0x1EA00] =	vst v63  }
.Ltmp2:
0x27: {  	_ = 	snop;
	(pc) =	sbr.rel .LBB2_2-.Ltmp2, $4  }
0x28: {  	[bflag:$0x0] =	sbarrier.arrive $0xFFFF  }
0x29: {  	[tilespmem:s21], [sflag:$0x1] =	stream.indirect.gather [hbm4b:s6+s18], $0x80, s28, s18, $0xb8;
	[tilespmem:$0x1EA00] =	vst v63  }
0x2a: {  	s29 =	simm.s32 $0x0;
	s30 =	simm.s32 $0x0;
	s31 =	simm.s32 $0x0  }
0x2b: {  	[tilespmem:s23], [sflag:$0x1] =	stream.indirect.gather [hbm4b:s6+s18], $0x80, s22, s18, $0xb8;
	[tilespmem:$0x1EA00] =	vst v63  }
.LBB2_3:
0x2c: {  	s19 =	sand.u32 $0x7C00, s28  }
0x2d: {  	s20 =	sand.u32 $0x380, s28;
	s19 =	sadd.s32 s4, s19  }
0x2e: {  	s19 =	sor.u32 s20, s19  }
0x2f: {  	s19 =	sshrl.u32 s19, $0x3  }
0x30: {  	s19 =	sadd.s32 s2, s19  }
0x31: {  	[tilespmem:s0], [sflag:$0x2] =	stream.linear.gather [hbm4b:s19+s5], $0x80, $0x38;
	[tilespmem:$0x1EA00] =	vst v63  }
.LBB2_5:
0x32: {  	s0 =	sshra.s32 s29, $0x2  }
0x33: {  	s0 =	sadd.s32 $0x300, s0  }
0x34: {  	[tilespmem:s1], [sflag:$0x1] =	stream.indirect.gather [hbm4b:s6+s18], $0x80, s0, s18, $0xb8;
	[tilespmem:$0x1EA00] =	vst v63  }
.LBB2_6:
0x35: {  	s31 =	sadd.s32 $0x1, s31  }
0x36: {  	p0 =	sne.s32 s31, $0x50  }
.Ltmp3:
0x37: {  	_ = 	snop;
	(pc) =	sbr.rel @!p0 .LBB2_7-.Ltmp3, $2  }
0x38: {  	_ =	sdelay $0x2  }
0x39: {  	s28 =	sadd.s32 $0x80, s28;
	s30 =	sadd.s32 $0x10000, s30;
	s29 =	sadd.s32 $0x200, s29  }
.LBB2_2:
0x3a: {  	_ =	swait.ge [sflag:s24], $0x4000  }
0x3b: {  	[sflag:s24] =	ssyncset.done $0x0  }
0x3c: {  	s0 =	sand.u32 $0x10000, s30;
	[sflag:s24] =	ssyncadd.s32 $0xFFFFC000  }
0x3d: {  	s19 =	sshrl.u32 s29, $0x2;
	s0 =	sshrl.u32 s0, $0x2;
	_ =	swait.ge [sflag:s25], $0x80  }
0x3e: {  	p0 =	sgt.u32 s31, $0x4B;
	s1 =	sor.u32 $0x2A00, s0;
	[sflag:s25] =	ssyncset.done $0x0  }
.Ltmp4:
0x3f: {  	s0 =	sand.u32 $0x180, s19;
	[sflag:s25] =	ssyncadd.s32 $0xFFFFFF80;
	(pc) =	sbr.rel @!p0 .LBB2_3-.Ltmp4, $4  }
0x40: {  	[spmem:s3] =	stream.indirect.scatter.add.f32 [tilespmem:s1], [sflag:$0x3], $0x80, s0, s18, $0xb8;
	[tilespmem:$0x1EA00] =	vst v63  }
0x41: {  	_ =	swait.ge [sflag:s17], $0x4000  }
0x42: {  	[sflag:s17] =	ssyncset.done $0x0  }
0x43: {  	[sflag:s17] =	ssyncadd.s32 $0xFFFFC000  }
0x44: {  	p0 =	sgt.u32 s31, $0x4D  }
.Ltmp5:
0x45: {  	_ = 	snop;
	(pc) =	sbr.rel @p0 .LBB2_6-.Ltmp5, $4  }
.Ltmp6:
0x46: {  	_ = 	snop;
	(pc) =	sbr.rel @!p0 .LBB2_5-.Ltmp6, $4  }
0x47: {  	_ = 	snop  }
0x48: {  	_ = 	snop  }
0x49: {  	_ = 	snop  }
0x4a: {  	_ = 	snop  }
.LBB2_8:
0x4b: {  	_ =	sfence.sel $0x180000  }
0x4c: {  	[bflag:$0x0] =	sbarrier.arrive $0xFFFF  }
0x4d: {  	_ =	strace $0x9000004A  }
0x4e: {  	s0 =	stileid.u32;
	[bflag:$0x2] =	sbarrier.arrive $0xFFFF  }
0x4f: {  	p0 =	sne.s32 s0, $0x0;
	s0 =	rddreg [dreg:$0x3]  }
0x50: {  	s0 =	sadd.s32 @!p0 $0x100000, s0  }
0x51: {  	[sflag:s0] =	ssyncadd.tile.s32 @!p0 $0x1;
	_ =	shalt  }
.Lfunc_end2:
_tile_overlayer_lowered:
.L_overlay_start_2:
0x52: {  	(tag) =	ssettag $0x2  }
0x53: {  	s0 =	rddreg [dreg:$0x0];
	s2 =	stileid.u32  }
0x54: {  	s1 =	rddreg [dreg:$0x1];
	p0 =	sne.s32 s2, $0x0  }
0x55: {  	s3 =	rddreg [dreg:$0x2];
	[bflag:$0x3] =	sbarrier.arrive $0xFFFF;
	s2 =	simm.s32 @!p0 $0x1C03  }
0x56: {  	[timem:s3], [sflag:s2] =	dma.local @!p0 [hbm:s0], s1  }
0x57: {  	s0 =	simm.s32 @!p0 $0x3  }
0x58: {  	_ =	swait.ge @!p0 [sflag:s0], s1  }
0x59: {  	s1 =	ssub.s32 @!p0 $0x0, s1;
	[sflag:s0] =	ssyncset.done @!p0 $0x0  }
0x5a: {  	[sflag:s0] =	ssyncadd.s32 @!p0 s1  }
0x5b: {  	[bflag:$0x3] =	sbarrier.arrive $0xFFFF  }
0x5c: {  	_ =	shalt  }

// kernel: _run.14.cloned.1.call-start
scs
__scs_entry_jumppad:
0x0: {  	(pc) =	sbr.rel $0x88, $3  }
0x1: {  	(tag) =	ssettag $0x0;
	lr =	simm.s32 $0x1  }
0x2: {  	[smem:$0x3F9B] =	sst lr;
	_ =	strace $0xD0000000  }
0x3: {  	_ = 	snop  }
0x4: {  	_ = 	snop  }
0x5: {  	_ = 	snop  }
0x6: {  	_ = 	snop  }
0x7: {  	_ = 	snop  }
__scs_overlays_trampoline_lowered:
0x8: {  	[smem:$0x3FAA] =	sst s0  }
0x9: {  	[smem:$0x3FAB] =	sst s1  }
0xa: {  	[smem:$0x3FAC] =	sst s2  }
0xb: {  	[smem:$0x3FAD] =	sst s3  }
0xc: {  	[smem:$0x3FAE] =	sst s4  }
0xd: {  	[smem:$0x3FAF] =	sst s5  }
0xe: {  	[smem:$0x3FB0] =	sst s6  }
0xf: {  	[smem:$0x3FB1] =	sst s7  }
0x10: {  	[smem:$0x3FB2] =	sst s8  }
0x11: {  	[smem:$0x3FB3] =	sst s9;
	s0 =	simm.s32 @!p0 $0x0  }
0x12: {  	s1 =	sld [smem:$0x3F99];
	s0 =	simm.s32 @p0 $0x1  }
0x13: {  	[smem:$0x3FB4] =	sst s0;
	s0 =	simm.s32 @!p1 $0x0  }
0x14: {  	s2 =	sld [smem:$0x3F98];
	s0 =	simm.s32 @p1 $0x1  }
0x15: {  	[smem:$0x3FB5] =	sst s0;
	s0 =	simm.s32 @!p2 $0x0  }
0x16: {  	s3 =	sld [smem:$0x3FDB];
	s0 =	simm.s32 @p2 $0x1  }
0x17: {  	s4 =	simm.s32 $0x1BF5;
	[smem:$0x3FB7] =	sst s0  }
0x18: {  	s0 =	sld [smem:$0x3F9A];
	_ =	swait.ge [sflag:s4], $0x0  }
0x19: {  	s7 =	sld [smem:$0x3F9B]  }
0x1a: {  	s8 =	sadd.s32 $0xFFFFE003, lr  }
0x1b: {  	s9 =	sadd.s32 $0xFFFFFEF7, lr;
	s5 =	simm.s32 $0xFFFFFFFF;
	p2 =	slt.u32 s8, $0xFFFFF086  }
0x1c: {  	p1 =	slt.u32 s9, $0xF7A;
	s5 =	simm.s32 @!p2 $0x0  }
0x1d: {  	s5 =	simm.s32 @p1 $0x1;
	p0 =	seq.s32 s7, s2  }
0x1e: {  	s7 =	smul.u32 @!p0 $0xF7A, s2;
	p2 =	seq.s32 @!p0 s5, $0x0  }
0x1f: {  	s9 =	smul.u32 $0xF7A, s1;
	s8 =	simm.s32 @!p0 $0x1BF5;
	p2 =	por !p2, p0  }
0x20: {  	[sflag:s8] =	ssyncset.s32 @!p0 $0xFFFFF086;
	s6 =	sadd.s32 @!p0 s3, s7;
	s7 =	simm.s32 @!p0 $0x108  }
0x21: {  	s3 =	sadd.s32 s3, s9;
	s6 =	sadd.s32 @!p0 $0x88, s6;
	s7 =	simm.s32 @p2 $0x1082  }
0x22: {  	[simem:s7], [sflag:s8] =	dma.local @!p0 [hbm:s6], $0xF7A  }
0x23: {  	s9 =	sor.u32 $0xD0000000, s2;
	s6 =	simm.s32 $0x108;
	_ =	swait.ge @!p0 [sflag:s8], $0x0  }
0x24: {  	s3 =	sadd.s32 $0x88, s3;
	s6 =	simm.s32 @!p1 $0x1082;
	[sflag:s4] =	ssyncset.s32 $0xFFFFF086  }
0x25: {  	[simem:s6], [sflag:s4] =	dma.local [hbm:s3], $0xF7A  }
0x26: {  	[smem:$0x3F9B] =	sst s1;
	(tag) =	ssettag s2;
	_ =	strace s9  }
0x27: {  	s1 =	sld [smem:$0x3FAB]  }
0x28: {  	s2 =	sld [smem:$0x3FAC]  }
0x29: {  	s4 =	sld [smem:$0x3FAE]  }
0x2a: {  	p0 =	seq.s32 s5, $0x0;
	s5 =	sld [smem:$0x3FAF]  }
0x2b: {  	s6 =	sld [smem:$0x3FB0]  }
0x2c: {  	s7 =	sld [smem:$0x3FB1]  }
0x2d: {  	s3 =	simm.s32 $0x108;
	s8 =	sld [smem:$0x3FB2]  }
0x2e: {  	s3 =	simm.s32 @!p0 $0x1082;
	s9 =	sld [smem:$0x3FB3]  }
0x2f: {  	lr =	sadd.s32 s0, s3;
	s0 =	sld [smem:$0x3FAA]  }
0x30: {  	s3 =	sld [smem:$0x3FAD]  }
0x31: {  	[smem:$0x3FB6] =	sst s10  }
0x32: {  	s10 =	sld [smem:$0x3FB4];
	_ =	sdelay $0x3  }
0x33: {  	p0 =	seq.s32 s10, $0x1;
	s10 =	sld [smem:$0x3FB6];
	_ =	sdelay $0x3  }
0x34: {  	[smem:$0x3FB6] =	sst s10  }
0x35: {  	s10 =	sld [smem:$0x3FB5];
	_ =	sdelay $0x3  }
0x36: {  	p1 =	seq.s32 s10, $0x1;
	s10 =	sld [smem:$0x3FB6];
	_ =	sdelay $0x3  }
0x37: {  	[smem:$0x3FB6] =	sst s10  }
0x38: {  	s10 =	sld [smem:$0x3FB7]  }
0x39: {  	_ = 	snop;
	(pc) =	sbr.ind lr, $3  }
0x3a: {  	_ = 	snop  }
0x3b: {  	_ = 	snop  }
0x3c: {  	p2 =	seq.s32 s10, $0x1;
	s10 =	sld [smem:$0x3FB6]  }
0x3d: {  	_ =	shalt  }
0x3e: {  	_ =	shalt  }
0x3f: {  	_ =	shalt  }
0x40: {  	_ =	shalt  }
0x41: {  	_ =	shalt  }
0x42: {  	_ =	shalt  }
0x43: {  	_ =	shalt  }
0x44: {  	_ =	shalt  }
0x45: {  	_ =	shalt  }
0x46: {  	_ =	shalt  }
0x47: {  	_ =	shalt  }
0x48: {  	_ =	shalt  }
0x49: {  	_ =	shalt  }
0x4a: {  	_ =	shalt  }
0x4b: {  	_ =	shalt  }
0x4c: {  	_ =	shalt  }
0x4d: {  	_ =	shalt  }
0x4e: {  	_ =	shalt  }
0x4f: {  	_ =	shalt  }
0x50: {  	_ =	shalt  }
0x51: {  	_ =	shalt  }
0x52: {  	_ =	shalt  }
0x53: {  	_ =	shalt  }
0x54: {  	_ =	shalt  }
0x55: {  	_ =	shalt  }
0x56: {  	_ =	shalt  }
0x57: {  	_ =	shalt  }
0x58: {  	_ =	shalt  }
0x59: {  	_ =	shalt  }
0x5a: {  	_ =	shalt  }
0x5b: {  	_ =	shalt  }
0x5c: {  	_ =	shalt  }
0x5d: {  	_ =	shalt  }
0x5e: {  	_ =	shalt  }
0x5f: {  	_ =	shalt  }
0x60: {  	_ =	shalt  }
0x61: {  	_ =	shalt  }
0x62: {  	_ =	shalt  }
0x63: {  	_ =	shalt  }
0x64: {  	_ =	shalt  }
0x65: {  	_ =	shalt  }
0x66: {  	_ =	shalt  }
0x67: {  	_ =	shalt  }
0x68: {  	_ =	shalt  }
0x69: {  	_ =	shalt  }
0x6a: {  	_ =	shalt  }
0x6b: {  	_ =	shalt  }
0x6c: {  	_ =	shalt  }
0x6d: {  	_ =	shalt  }
0x6e: {  	_ =	shalt  }
0x6f: {  	_ =	shalt  }
0x70: {  	_ =	shalt  }
0x71: {  	_ =	shalt  }
0x72: {  	_ =	shalt  }
0x73: {  	_ =	shalt  }
0x74: {  	_ =	shalt  }
0x75: {  	_ =	shalt  }
0x76: {  	_ =	shalt  }
0x77: {  	_ =	shalt  }
0x78: {  	_ =	shalt  }
0x79: {  	_ =	shalt  }
0x7a: {  	_ =	shalt  }
0x7b: {  	_ =	shalt  }
0x7c: {  	_ =	shalt  }
0x7d: {  	_ =	shalt  }
0x7e: {  	_ =	shalt  }
0x7f: {  	_ =	shalt  }
0x80: {  	_ =	shalt  }
0x81: {  	_ =	shalt  }
0x82: {  	_ =	shalt  }
0x83: {  	_ =	shalt  }
0x84: {  	_ =	shalt  }
0x85: {  	_ =	shalt  }
0x86: {  	_ =	shalt  }
0x87: {  	_ =	shalt  }
.Lfunc_end0:
.L_simem_size_0:
called_computation.2_lowered:
.L_overlay_start_0:
0x88: {  	s2 =	sld [smem:$0x3FD9]  }
0x89: {  	s3 =	sld [smem:$0x3FFE];
	_ =	sdelay $0x1  }
0x8a: {  	s1 =	srdreg.scid  }
0x8b: {  	s0 =	sand.u32 $0x1, s1  }
0x8c: {  	s17 =	sshll.u32 s0, $0xA;
	s2 =	sadd.s32 s3, s2  }
0x8d: {  	s2 =	sadd.s32 s2, s17  }
0x8e: {  	[smem:$0x3FC2] =	sst s2  }
0x8f: {  	_ = 	snop  }
0x90: {  	s2 =	sld [smem:$0x3FD0];
	(tm) =	ssettm $0x1  }
0x91: {  	s18 =	sld [smem:$0x3FFB];
	_ =	sdelay $0x3  }
0x92: {  	_ =	strace s18  }
0x93: {  	s3 =	sld [smem:$0x3FFC];
	_ =	sdelay $0x3  }
0x94: {  	_ =	strace s3  }
0x95: {  	s3 =	sld [smem:$0x3FFD];
	_ =	sdelay $0x3  }
0x96: {  	_ =	strace s3  }
0x97: {  	_ =	strace $0x8FFFFFFF  }
0x98: {  	s19 =	sld [smem:$0x3FDB];
	_ =	sdelay $0x1  }
0x99: {  	s4 =	simm.s32 $_scs_section_size  }
0x9a: {  	s5 =	simm.s32 $_size__tile_overlayer_lowered;
	s6 =	simm.s32 $_tile_overlayer_lowered  }
0x9b: {  	s22 =	simm.s32 $0x1BFF;
	s21 =	sshll.u32 s6, $0x1;
	s3 =	sadd.s32 s4, s19  }
0x9c: {  	s7 =	simm.s32 $0x0;
	s20 =	sshll.u32 s5, $0x1;
	s5 =	sadd.s32 s21, s3  }
0x9d: {  	[timem:s7], [sflag:s22] =	dma.local [hbm:s5], s20  }
0x9e: {  	_ =	swait.ge [sflag:s22], s20  }
0x9f: {  	s4 =	ssub.s32 $0x0, s20;
	[sflag:s22] =	ssyncset.done $0x0  }
0xa0: {  	[sflag:s22] =	ssyncadd.s32 s4;
	_ =	sdelay $0x1  }
0xa1: {  	s23 =	simm.s32 $0x1B8B  }
0xa2: {  	_ =	swait.ge [sflag:s23], $0x1  }
0xa3: {  	[sflag:s23] =	ssyncset.done $0x0  }
0xa4: {  	s25 =	simm.s32 $0x1B8E;
	s24 =	sld [smem:$0x3FFE];
	[sflag:s23] =	ssyncadd.s32 $0xFFFFFFFF  }
0xa5: {  	s26 =	simm.s32 $execute0_lowered;
	[smem:$0x3FD2] =	sst s25  }
0xa6: {  	s5 =	sshll.u32 s26, $0x1;
	_ =	strace $0x8000004C;
	[dreg:$0x1] =	wrdreg $0xFFFFFFFF  }
0xa7: {  	s28 =	simm.s32 $_size_execute0_lowered;
	s3 =	sadd.s32 s3, s5;
	[dreg:$0x0] =	wrdreg $0x0  }
0xa8: {  	s5 =	sshll.u32 s28, $0x1;
	[dreg:$0x2] =	wrdreg s3  }
0xa9: {  	[dreg:$0x3] =	wrdreg s5  }
0xaa: {  	[dreg:$0x4] =	wrdreg $0xC0  }
0xab: {  	_ =	task [dreg:s7], $0x5FFFF  }
0xac: {  	[dreg:$0x1] =	wrdreg $0xFFFFFFFF  }
0xad: {  	[dreg:$0x0] =	wrdreg $0x60  }
0xae: {  	[dreg:$0x2] =	wrdreg s24  }
0xaf: {  	[dreg:$0x3] =	wrdreg s2  }
0xb0: {  	[dreg:$0x4] =	wrdreg $0xAA000  }
0xb1: {  	[dreg:$0x5] =	wrdreg $0x9  }
0xb2: {  	_ =	task.clear_ibuf [dreg:s7], $0x6FFFF;
	_ =	strace $0x9000004C  }
0xb3: {  	s29 =	simm.s32 $0x9;
	_ =	strace $0x8000004E  }
0xb4: {  	_ =	swait.ge [sflag:s29], $0x1  }
0xb5: {  	[sflag:s29] =	ssyncadd.s32 $0xFFFFFFFF  }
0xb6: {  	_ =	strace $0x9000004E  }
0xb7: {  	_ =	sfence  }
0xb8: {  	s30 =	sld [smem:$0x0];
	_ =	sdelay $0x2  }
0xb9: {  	s31 =	sshll.u32 s1, $0xD;
	s1 =	sshrl.u32 s1, $0x2  }
0xba: {  	s3 =	sand.u32 $0x4000, s31;
	s1 =	sadd.s32 s1, s30  }
0xbb: {  	s0 =	sor.u32 s3, s0;
	s1 =	sshll.u32 s1, $0x11  }
0xbc: {  	s0 =	sor.u32 s1, s0  }
0xbd: {  	s0 =	sadd.s32 $0x8F2B, s0  }
0xbe: {  	[sflag:s0] =	ssyncadd.remote.s32 $0x1  }
0xbf: {  	_ =	sfence.sel $0xFFFF  }
0xc0: {  	[dreg:$0x0] =	wrdreg $0xFFFFFFFF;
	(pc) =	sbr.abs _section_cstart, $3  }
0xc1: {  	[dreg:$0x1] =	wrdreg $0xFFFFFFFF  }
0xc2: {  	_ =	task.clear_ibuf [dreg:s7], $0x2FFFF;
	_ =	strace $0x9FFFFFFF  }
0xc3: {  	(tm) =	ssettm $0x7FFFFFFF  }
tec
execute0_lowered:
.L_overlay_start_1:
0x0: {  	(tag) =	ssettag $0x1  }
0x1: {  	s0 =	srdreg.scid;
	s1 =	rddreg [dreg:$0x0]  }
0x2: {  	s13 =	stileid.u32;
	s2 =	rddreg [dreg:$0x1]  }
0x3: {  	s5 =	simm.s32 $0x0;
	s17 =	simm.s32 $0x3;
	s18 =	simm.s32 $0x80  }
0x4: {  	s21 =	simm.s32 $0x2A00;
	s22 =	simm.s32 $0x280;
	s23 =	simm.s32 $0x6A00  }
0x5: {  	s24 =	simm.s32 $0x1;
	s25 =	simm.s32 $0x2;
	s26 =	simm.s32 $0x0  }
0x6: {  	s0 =	sand.u32 $0x1, s0;
	[smem:$0x7FF] =	sst s5;
	s9 =	smul.u32 $0x14000, s13  }
0x7: {  	s6 =	sadd.s32 $0xC600, s1;
	s11 =	smul.u32 $0x50000, s13;
	s31 =	sshll.u32 s13, $0x6  }
0x8: {  	s3 =	sshll.u32 s0, $0x4;
	s7 =	smul.u32 $0x140000, s0;
	s0 =	ssub.s32 $0x2, s0  }
0x9: {  	s4 =	sor.u32 s13, s3;
	s3 =	rddreg [dreg:$0x2];
	_ =	strace $0x8000004D  }
0xa: {  	s12 =	sshrl.u32 s0, $0x1;
	s30 =	sshrl.u32 s11, $0x2;
	s4 =	smul.u32 $0x2800, s4  }
0xb: {  	s9 =	sadd.s32 s9, s7;
	s7 =	sadd.s32 $0x34600, s1;
	s0 =	ssub.s32 s0, s12  }
.Ltmp0:
0xc: {  	s16 =	sadd.s32 s30, s3;
	s9 =	sshrl.u32 s9, $0x3;
	(pc) =	sbr.rel .LBB2_1-.Ltmp0, $4  }
0xd: {  	s15 =	smax.u32 s0, $0x1;
	s16 =	sshrl.u32 s16, $0x3;
	s8 =	sshrl.u32 s4, $0x3  }
0xe: {  	s10 =	sadd.s32 s8, s1;
	s1 =	sadd.s32 s9, s1;
	s8 =	sadd.s32 s2, s8  }
0xf: {  	s9 =	sor.u32 $0x1C03, s31;
	s10 =	sadd.s32 $0x2600, s10;
	s11 =	sadd.s32 $0x10, s8  }
0x10: {  	s12 =	sadd.s32 $0x20, s8;
	s13 =	sadd.s32 $0x30, s8;
	s14 =	sadd.s32 $0x36E00, s1  }
.LBB2_7:
0x11: {  	s26 =	sadd.s32 $0x1, s26  }
0x12: {  	p0 =	sne.s32 s26, s15  }
.Ltmp1:
0x13: {  	[bflag:$0x0] =	sbarrier.arrive $0xFFFF;
	(pc) =	sbr.rel @!p0 .LBB2_8-.Ltmp1, $4  }
0x14: {  	[hbm:s14], [sflag:s9] =	dma.local [spmem:s16], $0x2800  }
0x15: {  	_ =	swait.ge [sflag:s17], $0x2800  }
0x16: {  	[sflag:s17] =	ssyncset.done $0x0  }
0x17: {  	[sflag:s17] =	ssyncadd.s32 $0xFFFFD800  }
.LBB2_1:
0x18: {  	[spmem:s16], [sflag:s9] =	dma.local [hbm:s7], $0x2800  }
0x19: {  	_ =	swait.ge [sflag:s17], $0x2800  }
0x1a: {  	[sflag:s17] =	ssyncset.done $0x0  }
0x1b: {  	s28 =	simm.s32 $0x200;
	[sflag:s17] =	ssyncadd.s32 $0xFFFFD800  }
0x1c: {  	[tilespmem:s28], [sflag:$0x3] =	stream.linear.gather [hbm4b:s10+s5], $0x2800, $0x38;
	[tilespmem:$0x1EA00] =	vst v63  }
0x1d: {  	_ =	swait.ge [sflag:s17], $0x2800  }
0x1e: {  	[sflag:s17] =	ssyncset.done $0x0  }
0x1f: {  	[sflag:s17] =	ssyncadd.s32 $0xFFFFD800  }
0x20: {  	[tilespmem:s5], [sflag:$0x2] =	stream.linear.gather [hbm4b:s8+s5], $0x80, $0x38;
	[tilespmem:$0x1EA00] =	vst v63  }
0x21: {  	_ = 	snop  }
0x22: {  	[tilespmem:s18], [sflag:$0x2] =	stream.linear.gather [hbm4b:s11+s5], $0x80, $0x38;
	[tilespmem:$0x1EA00] =	vst v63  }
0x23: {  	s0 =	simm.s32 $0x100  }
0x24: {  	[tilespmem:s0], [sflag:$0x2] =	stream.linear.gather [hbm4b:s12+s5], $0x80, $0x38;
	[tilespmem:$0x1EA00] =	vst v63  }
0x25: {  	s20 =	simm.s32 $0x180  }
0x26: {  	[tilespmem:s20], [sflag:$0x2] =	stream.linear.gather [hbm4b:s13+s5], $0x80, $0x38;
	[tilespmem:$0x1EA00] =	vst v63  }
.Ltmp2:
0x27: {  	_ = 	snop;
	(pc) =	sbr.rel .LBB2_2-.Ltmp2, $4  }
0x28: {  	[bflag:$0x0] =	sbarrier.arrive $0xFFFF  }
0x29: {  	[tilespmem:s21], [sflag:$0x1] =	stream.indirect.gather [hbm4b:s6+s18], $0x80, s28, s18, $0xb8;
	[tilespmem:$0x1EA00] =	vst v63  }
0x2a: {  	s29 =	simm.s32 $0x0;
	s30 =	simm.s32 $0x0;
	s31 =	simm.s32 $0x0  }
0x2b: {  	[tilespmem:s23], [sflag:$0x1] =	stream.indirect.gather [hbm4b:s6+s18], $0x80, s22, s18, $0xb8;
	[tilespmem:$0x1EA00] =	vst v63  }
.LBB2_3:
0x2c: {  	s19 =	sand.u32 $0x7C00, s28  }
0x2d: {  	s20 =	sand.u32 $0x380, s28;
	s19 =	sadd.s32 s4, s19  }
0x2e: {  	s19 =	sor.u32 s20, s19  }
0x2f: {  	s19 =	sshrl.u32 s19, $0x3  }
0x30: {  	s19 =	sadd.s32 s2, s19  }
0x31: {  	[tilespmem:s0], [sflag:$0x2] =	stream.linear.gather [hbm4b:s19+s5], $0x80, $0x38;
	[tilespmem:$0x1EA00] =	vst v63  }
.LBB2_5:
0x32: {  	s0 =	sshra.s32 s29, $0x2  }
0x33: {  	s0 =	sadd.s32 $0x300, s0  }
0x34: {  	[tilespmem:s1], [sflag:$0x1] =	stream.indirect.gather [hbm4b:s6+s18], $0x80, s0, s18, $0xb8;
	[tilespmem:$0x1EA00] =	vst v63  }
.LBB2_6:
0x35: {  	s31 =	sadd.s32 $0x1, s31  }
0x36: {  	p0 =	sne.s32 s31, $0x50  }
.Ltmp3:
0x37: {  	_ = 	snop;
	(pc) =	sbr.rel @!p0 .LBB2_7-.Ltmp3, $2  }
0x38: {  	_ =	sdelay $0x2  }
0x39: {  	s28 =	sadd.s32 $0x80, s28;
	s30 =	sadd.s32 $0x10000, s30;
	s29 =	sadd.s32 $0x200, s29  }
.LBB2_2:
0x3a: {  	_ =	swait.ge [sflag:s24], $0x4000  }
0x3b: {  	[sflag:s24] =	ssyncset.done $0x0  }
0x3c: {  	s0 =	sand.u32 $0x10000, s30;
	[sflag:s24] =	ssyncadd.s32 $0xFFFFC000  }
0x3d: {  	s19 =	sshrl.u32 s29, $0x2;
	s0 =	sshrl.u32 s0, $0x2;
	_ =	swait.ge [sflag:s25], $0x80  }
0x3e: {  	p0 =	sgt.u32 s31, $0x4B;
	s1 =	sor.u32 $0x2A00, s0;
	[sflag:s25] =	ssyncset.done $0x0  }
.Ltmp4:
0x3f: {  	s0 =	sand.u32 $0x180, s19;
	[sflag:s25] =	ssyncadd.s32 $0xFFFFFF80;
	(pc) =	sbr.rel @!p0 .LBB2_3-.Ltmp4, $4  }
0x40: {  	[spmem:s3] =	stream.indirect.scatter.add.f32 [tilespmem:s1], [sflag:$0x3], $0x80, s0, s18, $0xb8;
	[tilespmem:$0x1EA00] =	vst v63  }
0x41: {  	_ =	swait.ge [sflag:s17], $0x4000  }
0x42: {  	[sflag:s17] =	ssyncset.done $0x0  }
0x43: {  	[sflag:s17] =	ssyncadd.s32 $0xFFFFC000  }
0x44: {  	p0 =	sgt.u32 s31, $0x4D  }
.Ltmp5:
0x45: {  	_ = 	snop;
	(pc) =	sbr.rel @p0 .LBB2_6-.Ltmp5, $4  }
.Ltmp6:
0x46: {  	_ = 	snop;
	(pc) =	sbr.rel @!p0 .LBB2_5-.Ltmp6, $4  }
0x47: {  	_ = 	snop  }
0x48: {  	_ = 	snop  }
0x49: {  	_ = 	snop  }
0x4a: {  	_ = 	snop  }
.LBB2_8:
0x4b: {  	_ =	sfence.sel $0x180000  }
0x4c: {  	[bflag:$0x0] =	sbarrier.arrive $0xFFFF  }
0x4d: {  	_ =	strace $0x9000004D  }
0x4e: {  	s0 =	stileid.u32;
	[bflag:$0x2] =	sbarrier.arrive $0xFFFF  }
0x4f: {  	p0 =	sne.s32 s0, $0x0;
	s0 =	rddreg [dreg:$0x3]  }
0x50: {  	s0 =	sadd.s32 @!p0 $0x100000, s0  }
0x51: {  	[sflag:s0] =	ssyncadd.tile.s32 @!p0 $0x1;
	_ =	shalt  }
.Lfunc_end2:
_tile_overlayer_lowered:
.L_overlay_start_2:
0x52: {  	(tag) =	ssettag $0x2  }
0x53: {  	s0 =	rddreg [dreg:$0x0];
	s2 =	stileid.u32  }
0x54: {  	s1 =	rddreg [dreg:$0x1];
	p0 =	sne.s32 s2, $0x0  }
0x55: {  	s3 =	rddreg [dreg:$0x2];
	[bflag:$0x3] =	sbarrier.arrive $0xFFFF;
	s2 =	simm.s32 @!p0 $0x1C03  }
0x56: {  	[timem:s3], [sflag:s2] =	dma.local @!p0 [hbm:s0], s1  }
0x57: {  	s0 =	simm.s32 @!p0 $0x3  }
0x58: {  	_ =	swait.ge @!p0 [sflag:s0], s1  }
0x59: {  	s1 =	ssub.s32 @!p0 $0x0, s1;
	[sflag:s0] =	ssyncset.done @!p0 $0x0  }
0x5a: {  	[sflag:s0] =	ssyncadd.s32 @!p0 s1  }
0x5b: {  	[bflag:$0x3] =	sbarrier.arrive $0xFFFF  }
0x5c: {  	_ =	shalt  }

// kernel: _run.8.cloned.1.call-start
scs
__scs_entry_jumppad:
0x0: {  	(pc) =	sbr.rel $0x88, $3  }
0x1: {  	(tag) =	ssettag $0x0;
	lr =	simm.s32 $0x1  }
0x2: {  	[smem:$0x3F9B] =	sst lr;
	_ =	strace $0xD0000000  }
0x3: {  	_ = 	snop  }
0x4: {  	_ = 	snop  }
0x5: {  	_ = 	snop  }
0x6: {  	_ = 	snop  }
0x7: {  	_ = 	snop  }
__scs_overlays_trampoline_lowered:
0x8: {  	[smem:$0x3FAA] =	sst s0  }
0x9: {  	[smem:$0x3FAB] =	sst s1  }
0xa: {  	[smem:$0x3FAC] =	sst s2  }
0xb: {  	[smem:$0x3FAD] =	sst s3  }
0xc: {  	[smem:$0x3FAE] =	sst s4  }
0xd: {  	[smem:$0x3FAF] =	sst s5  }
0xe: {  	[smem:$0x3FB0] =	sst s6  }
0xf: {  	[smem:$0x3FB1] =	sst s7  }
0x10: {  	[smem:$0x3FB2] =	sst s8  }
0x11: {  	[smem:$0x3FB3] =	sst s9;
	s0 =	simm.s32 @!p0 $0x0  }
0x12: {  	s1 =	sld [smem:$0x3F99];
	s0 =	simm.s32 @p0 $0x1  }
0x13: {  	[smem:$0x3FB4] =	sst s0;
	s0 =	simm.s32 @!p1 $0x0  }
0x14: {  	s2 =	sld [smem:$0x3F98];
	s0 =	simm.s32 @p1 $0x1  }
0x15: {  	[smem:$0x3FB5] =	sst s0;
	s0 =	simm.s32 @!p2 $0x0  }
0x16: {  	s3 =	sld [smem:$0x3FDB];
	s0 =	simm.s32 @p2 $0x1  }
0x17: {  	s4 =	simm.s32 $0x1BF5;
	[smem:$0x3FB7] =	sst s0  }
0x18: {  	s0 =	sld [smem:$0x3F9A];
	_ =	swait.ge [sflag:s4], $0x0  }
0x19: {  	s7 =	sld [smem:$0x3F9B]  }
0x1a: {  	s8 =	sadd.s32 $0xFFFFE003, lr  }
0x1b: {  	s9 =	sadd.s32 $0xFFFFFEF7, lr;
	s5 =	simm.s32 $0xFFFFFFFF;
	p2 =	slt.u32 s8, $0xFFFFF086  }
0x1c: {  	p1 =	slt.u32 s9, $0xF7A;
	s5 =	simm.s32 @!p2 $0x0  }
0x1d: {  	s5 =	simm.s32 @p1 $0x1;
	p0 =	seq.s32 s7, s2  }
0x1e: {  	s7 =	smul.u32 @!p0 $0xF7A, s2;
	p2 =	seq.s32 @!p0 s5, $0x0  }
0x1f: {  	s9 =	smul.u32 $0xF7A, s1;
	s8 =	simm.s32 @!p0 $0x1BF5;
	p2 =	por !p2, p0  }
0x20: {  	[sflag:s8] =	ssyncset.s32 @!p0 $0xFFFFF086;
	s6 =	sadd.s32 @!p0 s3, s7;
	s7 =	simm.s32 @!p0 $0x108  }
0x21: {  	s3 =	sadd.s32 s3, s9;
	s6 =	sadd.s32 @!p0 $0x88, s6;
	s7 =	simm.s32 @p2 $0x1082  }
0x22: {  	[simem:s7], [sflag:s8] =	dma.local @!p0 [hbm:s6], $0xF7A  }
0x23: {  	s9 =	sor.u32 $0xD0000000, s2;
	s6 =	simm.s32 $0x108;
	_ =	swait.ge @!p0 [sflag:s8], $0x0  }
0x24: {  	s3 =	sadd.s32 $0x88, s3;
	s6 =	simm.s32 @!p1 $0x1082;
	[sflag:s4] =	ssyncset.s32 $0xFFFFF086  }
0x25: {  	[simem:s6], [sflag:s4] =	dma.local [hbm:s3], $0xF7A  }
0x26: {  	[smem:$0x3F9B] =	sst s1;
	(tag) =	ssettag s2;
	_ =	strace s9  }
0x27: {  	s1 =	sld [smem:$0x3FAB]  }
0x28: {  	s2 =	sld [smem:$0x3FAC]  }
0x29: {  	s4 =	sld [smem:$0x3FAE]  }
0x2a: {  	p0 =	seq.s32 s5, $0x0;
	s5 =	sld [smem:$0x3FAF]  }
0x2b: {  	s6 =	sld [smem:$0x3FB0]  }
0x2c: {  	s7 =	sld [smem:$0x3FB1]  }
0x2d: {  	s3 =	simm.s32 $0x108;
	s8 =	sld [smem:$0x3FB2]  }
0x2e: {  	s3 =	simm.s32 @!p0 $0x1082;
	s9 =	sld [smem:$0x3FB3]  }
0x2f: {  	lr =	sadd.s32 s0, s3;
	s0 =	sld [smem:$0x3FAA]  }
0x30: {  	s3 =	sld [smem:$0x3FAD]  }
0x31: {  	[smem:$0x3FB6] =	sst s10  }
0x32: {  	s10 =	sld [smem:$0x3FB4];
	_ =	sdelay $0x3  }
0x33: {  	p0 =	seq.s32 s10, $0x1;
	s10 =	sld [smem:$0x3FB6];
	_ =	sdelay $0x3  }
0x34: {  	[smem:$0x3FB6] =	sst s10  }
0x35: {  	s10 =	sld [smem:$0x3FB5];
	_ =	sdelay $0x3  }
0x36: {  	p1 =	seq.s32 s10, $0x1;
	s10 =	sld [smem:$0x3FB6];
	_ =	sdelay $0x3  }
0x37: {  	[smem:$0x3FB6] =	sst s10  }
0x38: {  	s10 =	sld [smem:$0x3FB7]  }
0x39: {  	_ = 	snop;
	(pc) =	sbr.ind lr, $3  }
0x3a: {  	_ = 	snop  }
0x3b: {  	_ = 	snop  }
0x3c: {  	p2 =	seq.s32 s10, $0x1;
	s10 =	sld [smem:$0x3FB6]  }
0x3d: {  	_ =	shalt  }
0x3e: {  	_ =	shalt  }
0x3f: {  	_ =	shalt  }
0x40: {  	_ =	shalt  }
0x41: {  	_ =	shalt  }
0x42: {  	_ =	shalt  }
0x43: {  	_ =	shalt  }
0x44: {  	_ =	shalt  }
0x45: {  	_ =	shalt  }
0x46: {  	_ =	shalt  }
0x47: {  	_ =	shalt  }
0x48: {  	_ =	shalt  }
0x49: {  	_ =	shalt  }
0x4a: {  	_ =	shalt  }
0x4b: {  	_ =	shalt  }
0x4c: {  	_ =	shalt  }
0x4d: {  	_ =	shalt  }
0x4e: {  	_ =	shalt  }
0x4f: {  	_ =	shalt  }
0x50: {  	_ =	shalt  }
0x51: {  	_ =	shalt  }
0x52: {  	_ =	shalt  }
0x53: {  	_ =	shalt  }
0x54: {  	_ =	shalt  }
0x55: {  	_ =	shalt  }
0x56: {  	_ =	shalt  }
0x57: {  	_ =	shalt  }
0x58: {  	_ =	shalt  }
0x59: {  	_ =	shalt  }
0x5a: {  	_ =	shalt  }
0x5b: {  	_ =	shalt  }
0x5c: {  	_ =	shalt  }
0x5d: {  	_ =	shalt  }
0x5e: {  	_ =	shalt  }
0x5f: {  	_ =	shalt  }
0x60: {  	_ =	shalt  }
0x61: {  	_ =	shalt  }
0x62: {  	_ =	shalt  }
0x63: {  	_ =	shalt  }
0x64: {  	_ =	shalt  }
0x65: {  	_ =	shalt  }
0x66: {  	_ =	shalt  }
0x67: {  	_ =	shalt  }
0x68: {  	_ =	shalt  }
0x69: {  	_ =	shalt  }
0x6a: {  	_ =	shalt  }
0x6b: {  	_ =	shalt  }
0x6c: {  	_ =	shalt  }
0x6d: {  	_ =	shalt  }
0x6e: {  	_ =	shalt  }
0x6f: {  	_ =	shalt  }
0x70: {  	_ =	shalt  }
0x71: {  	_ =	shalt  }
0x72: {  	_ =	shalt  }
0x73: {  	_ =	shalt  }
0x74: {  	_ =	shalt  }
0x75: {  	_ =	shalt  }
0x76: {  	_ =	shalt  }
0x77: {  	_ =	shalt  }
0x78: {  	_ =	shalt  }
0x79: {  	_ =	shalt  }
0x7a: {  	_ =	shalt  }
0x7b: {  	_ =	shalt  }
0x7c: {  	_ =	shalt  }
0x7d: {  	_ =	shalt  }
0x7e: {  	_ =	shalt  }
0x7f: {  	_ =	shalt  }
0x80: {  	_ =	shalt  }
0x81: {  	_ =	shalt  }
0x82: {  	_ =	shalt  }
0x83: {  	_ =	shalt  }
0x84: {  	_ =	shalt  }
0x85: {  	_ =	shalt  }
0x86: {  	_ =	shalt  }
0x87: {  	_ =	shalt  }
.Lfunc_end0:
.L_simem_size_0:
called_computation_lowered:
.L_overlay_start_0:
0x88: {  	s2 =	sld [smem:$0x3FD9]  }
0x89: {  	s3 =	sld [smem:$0x3FFE];
	_ =	sdelay $0x1  }
0x8a: {  	s1 =	srdreg.scid  }
0x8b: {  	s0 =	sand.u32 $0x1, s1  }
0x8c: {  	s17 =	sshll.u32 s0, $0xA;
	s2 =	sadd.s32 s3, s2  }
0x8d: {  	s2 =	sadd.s32 s2, s17  }
0x8e: {  	[smem:$0x3FC2] =	sst s2  }
0x8f: {  	_ = 	snop  }
0x90: {  	s2 =	sld [smem:$0x3FD0];
	(tm) =	ssettm $0x1  }
0x91: {  	s18 =	sld [smem:$0x3FFB];
	_ =	sdelay $0x3  }
0x92: {  	_ =	strace s18  }
0x93: {  	s3 =	sld [smem:$0x3FFC];
	_ =	sdelay $0x3  }
0x94: {  	_ =	strace s3  }
0x95: {  	s3 =	sld [smem:$0x3FFD];
	_ =	sdelay $0x3  }
0x96: {  	_ =	strace s3  }
0x97: {  	_ =	strace $0x8FFFFFFF  }
0x98: {  	s19 =	sld [smem:$0x3FDB];
	_ =	sdelay $0x1  }
0x99: {  	s4 =	simm.s32 $_scs_section_size  }
0x9a: {  	s5 =	simm.s32 $_size__tile_overlayer_lowered;
	s6 =	simm.s32 $_tile_overlayer_lowered  }
0x9b: {  	s22 =	simm.s32 $0x1BFF;
	s21 =	sshll.u32 s6, $0x1;
	s3 =	sadd.s32 s4, s19  }
0x9c: {  	s7 =	simm.s32 $0x0;
	s20 =	sshll.u32 s5, $0x1;
	s5 =	sadd.s32 s21, s3  }
0x9d: {  	[timem:s7], [sflag:s22] =	dma.local [hbm:s5], s20  }
0x9e: {  	_ =	swait.ge [sflag:s22], s20  }
0x9f: {  	s4 =	ssub.s32 $0x0, s20;
	[sflag:s22] =	ssyncset.done $0x0  }
0xa0: {  	[sflag:s22] =	ssyncadd.s32 s4;
	_ =	sdelay $0x1  }
0xa1: {  	s23 =	simm.s32 $0x1B8B  }
0xa2: {  	_ =	swait.ge [sflag:s23], $0x1  }
0xa3: {  	[sflag:s23] =	ssyncset.done $0x0  }
0xa4: {  	s25 =	simm.s32 $0x1B8E;
	s24 =	sld [smem:$0x3FFE];
	[sflag:s23] =	ssyncadd.s32 $0xFFFFFFFF  }
0xa5: {  	s26 =	simm.s32 $execute0_lowered;
	[smem:$0x3FD2] =	sst s25  }
0xa6: {  	s5 =	sshll.u32 s26, $0x1;
	_ =	strace $0x80000046;
	[dreg:$0x1] =	wrdreg $0xFFFFFFFF  }
0xa7: {  	s28 =	simm.s32 $_size_execute0_lowered;
	s3 =	sadd.s32 s3, s5;
	[dreg:$0x0] =	wrdreg $0x0  }
0xa8: {  	s5 =	sshll.u32 s28, $0x1;
	[dreg:$0x2] =	wrdreg s3  }
0xa9: {  	[dreg:$0x3] =	wrdreg s5  }
0xaa: {  	[dreg:$0x4] =	wrdreg $0xC0  }
0xab: {  	_ =	task [dreg:s7], $0x5FFFF  }
0xac: {  	[dreg:$0x1] =	wrdreg $0xFFFFFFFF  }
0xad: {  	[dreg:$0x0] =	wrdreg $0x60  }
0xae: {  	[dreg:$0x2] =	wrdreg s2  }
0xaf: {  	[dreg:$0x3] =	wrdreg s24  }
0xb0: {  	[dreg:$0x4] =	wrdreg $0x28800  }
0xb1: {  	[dreg:$0x5] =	wrdreg $0x9  }
0xb2: {  	_ =	task.clear_ibuf [dreg:s7], $0x6FFFF;
	_ =	strace $0x90000046  }
0xb3: {  	s29 =	simm.s32 $0x9;
	_ =	strace $0x80000048  }
0xb4: {  	_ =	swait.ge [sflag:s29], $0x1  }
0xb5: {  	[sflag:s29] =	ssyncadd.s32 $0xFFFFFFFF  }
0xb6: {  	_ =	strace $0x90000048  }
0xb7: {  	_ =	sfence  }
0xb8: {  	s30 =	sld [smem:$0x0];
	_ =	sdelay $0x2  }
0xb9: {  	s31 =	sshll.u32 s1, $0xD;
	s1 =	sshrl.u32 s1, $0x2  }
0xba: {  	s3 =	sand.u32 $0x4000, s31;
	s1 =	sadd.s32 s1, s30  }
0xbb: {  	s0 =	sor.u32 s3, s0;
	s1 =	sshll.u32 s1, $0x11  }
0xbc: {  	s0 =	sor.u32 s1, s0  }
0xbd: {  	s0 =	sadd.s32 $0x8F2B, s0  }
0xbe: {  	[sflag:s0] =	ssyncadd.remote.s32 $0x1  }
0xbf: {  	_ =	sfence.sel $0xFFFF  }
0xc0: {  	[dreg:$0x0] =	wrdreg $0xFFFFFFFF;
	(pc) =	sbr.abs _section_cstart, $3  }
0xc1: {  	[dreg:$0x1] =	wrdreg $0xFFFFFFFF  }
0xc2: {  	_ =	task.clear_ibuf [dreg:s7], $0x2FFFF;
	_ =	strace $0x9FFFFFFF  }
0xc3: {  	(tm) =	ssettm $0x7FFFFFFF  }
tec
execute0_lowered:
.L_overlay_start_1:
0x0: {  	(tag) =	ssettag $0x1  }
0x1: {  	s7 =	rddreg [dreg:$0x0]  }
0x2: {  	s6 =	rddreg [dreg:$0x1]  }
0x3: {  	s2 =	rddreg [dreg:$0x2]  }
0x4: {  	s0 =	rddreg [dreg:$0x3];
	s4 =	srdreg.scid  }
0x5: {  	s1 =	stileid.u32;
	s3 =	simm.s32 $0x0;
	s13 =	simm.s32 $0x80  }
0x6: {  	s14 =	simm.s32 $0x20;
	s15 =	simm.s32 $0x10;
	s16 =	simm.s32 $0x0  }
0x7: {  	s8 =	sand.u32 $0x1, s4;
	s5 =	smul.u32 $0x500, s1;
	[smem:$0x7FF] =	sst s3  }
0x8: {  	s4 =	sadd.s32 $0x1800, s6;
	s11 =	smul.u32 $0xA00, s1;
	s31 =	sshll.u32 s1, $0x6  }
0x9: {  	s9 =	sshll.u32 s8, $0x7;
	_ =	strace $0x80000047;
	s10 =	sshll.u32 s8, $0x4  }
0xa: {  	s8 =	ssub.s32 $0x2, s8;
	s9 =	sor.u32 s9, s5;
	s5 =	sadd.s32 $0x1A00, s6  }
0xb: {  	s10 =	sor.u32 s1, s10;
	s29 =	sshrl.u32 s8, $0x1;
	s30 =	sshrl.u32 s11, $0x2  }
0xc: {  	s9 =	sshrl.u32 s9, $0x3;
	s10 =	smul.u32 $0x500, s10;
	s12 =	ssub.s32 s8, s29  }
0xd: {  	s11 =	sadd.s32 s30, s2;
	s9 =	sadd.s32 s9, s6;
	s6 =	sor.u32 $0x1C01, s31  }
0xe: {  	s7 =	sadd.s32 s7, s10;
	s8 =	sadd.s32 $0x1C00, s9;
	s9 =	smax.u32 s12, $0x1  }
0xf: {  	s10 =	sshrl.u32 s11, $0x3;
	s11 =	simm.s32 $0x1;
	s12 =	simm.s32 $0x2800  }
.LBB2_1:
0x10: {  	[spmem:s10], [sflag:s6] =	dma.local [hbm:s4], $0x50  }
0x11: {  	_ =	swait.ge [sflag:s11], $0x50  }
0x12: {  	[sflag:s11] =	ssyncset.done $0x0  }
0x13: {  	[sflag:s11] =	ssyncadd.s32 $0xFFFFFFB0  }
0x14: {  	[tilespmem:s12], [sflag:$0x1] =	stream.linear.gather [hbm4b:s5+s3], $0x80, $0x38;
	[tilespmem:$0x2B00] =	vst v63  }
0x15: {  	_ =	swait.ge [sflag:s11], $0x80  }
0x16: {  	[sflag:s11] =	ssyncset.done $0x0  }
0x17: {  	[sflag:s11] =	ssyncadd.s32 $0xFFFFFF80  }
0x18: {  	[tilespmem:s3], [sflag:$0x1] =	stream.linear.gather [hbm4b:s7+s3], $0x2800, $0x38;
	[tilespmem:$0x2B00] =	vst v63  }
0x19: {  	_ =	swait.ge [sflag:s11], $0x2800  }
0x1a: {  	[sflag:s11] =	ssyncset.done $0x0  }
0x1b: {  	[sflag:s11] =	ssyncadd.s32 $0xFFFFD800  }
0x1c: {  	s17 =	simm.s32 $0x0;
	[bflag:$0x0] =	sbarrier.arrive $0xFFFF  }
0x1d: {  	[spmem:s2] =	stream.indirect.scatter.add.f32 [tilespmem:s12], [sflag:$0x1], $0x1, s17, s13, $0xb8;
	[tilespmem:$0x2B00] =	vst v63  }
0x1e: {  	_ =	swait.ge [sflag:s11], $0x80  }
0x1f: {  	s17 =	simm.s32 $0x200;
	[sflag:s11] =	ssyncset.done $0x0  }
.LBB2_2:
0x20: {  	s18 =	sshra.s32 s17, $0x2;
	[sflag:s11] =	ssyncadd.s32 $0xFFFFFF80;
	p0 =	sne.s32 s17, $0x9E00  }
0x21: {  	[spmem:s2] =	stream.indirect.scatter.add.f32 [tilespmem:s12], [sflag:$0x1], $0x1, s18, s13, $0xb8;
	[tilespmem:$0x2B00] =	vst v63  }
.Ltmp0:
0x22: {  	_ = 	snop;
	(pc) =	sbr.rel @p0 .LBB2_2-.Ltmp0, $4  }
0x23: {  	_ = 	snop  }
0x24: {  	s17 =	sadd.s32 $0x200, s17  }
0x25: {  	_ =	swait.ge [sflag:s11], $0x80  }
0x26: {  	[sflag:s11] =	ssyncset.done $0x0  }
0x27: {  	s16 =	sadd.s32 $0x1, s16  }
0x28: {  	[sflag:s11] =	ssyncadd.s32 $0xFFFFFF80;
	p0 =	sne.s32 s16, s9  }
.Ltmp1:
0x29: {  	[bflag:$0x0] =	sbarrier.arrive $0xFFFF;
	(pc) =	sbr.rel @p0 .LBB2_1-.Ltmp1, $4  }
0x2a: {  	[hbm:s8@s14], [sflag:s6] =	dma.strided [spmem:s10@s15], $0x50, s11, $0x10   }
0x2b: {  	_ =	swait.ge [sflag:s11], $0x50  }
0x2c: {  	[sflag:s11] =	ssyncset.done $0x0  }
0x2d: {  	[sflag:s11] =	ssyncadd.s32 $0xFFFFFFB0  }
0x2e: {  	_ =	sfence.sel $0x180000  }
0x2f: {  	[bflag:$0x0] =	sbarrier.arrive $0xFFFF  }
0x30: {  	p0 =	sne.s32 s1, $0x0;
	_ =	strace $0x90000047  }
0x31: {  	s0 =	sadd.s32 @!p0 $0x100000, s0;
	[bflag:$0x2] =	sbarrier.arrive $0xFFFF  }
0x32: {  	[sflag:s0] =	ssyncadd.tile.s32 @!p0 $0x1;
	_ =	shalt  }
.Lfunc_end2:
_tile_overlayer_lowered:
.L_overlay_start_2:
0x33: {  	(tag) =	ssettag $0x2  }
0x34: {  	s0 =	rddreg [dreg:$0x0];
	s2 =	stileid.u32  }
0x35: {  	s1 =	rddreg [dreg:$0x1];
	p0 =	sne.s32 s2, $0x0  }
0x36: {  	s3 =	rddreg [dreg:$0x2];
	[bflag:$0x3] =	sbarrier.arrive $0xFFFF;
	s2 =	simm.s32 @!p0 $0x1C01  }
0x37: {  	[timem:s3], [sflag:s2] =	dma.local @!p0 [hbm:s0], s1  }
0x38: {  	s0 =	simm.s32 @!p0 $0x1  }
0x39: {  	_ =	swait.ge @!p0 [sflag:s0], s1  }
0x3a: {  	s1 =	ssub.s32 @!p0 $0x0, s1;
	[sflag:s0] =	ssyncset.done @!p0 $0x0  }
0x3b: {  	[sflag:s0] =	ssyncadd.s32 @!p0 s1  }
0x3c: {  	[bflag:$0x3] =	sbarrier.arrive $0xFFFF  }
0x3d: {  	_ =	shalt  }

</sc_bundles>
